<compile_context>
chip_gen: v7x
topology: tpu7x:2x2x1
jax: 0.10.2.dev20260603
libtpu: 0.0.44.dev20260713+nightly
codegen_flags: <defaults>
</compile_context>

<pallas_src>
import functools

import jax
import jax.numpy as jnp
from jax import lax
from jax.experimental import pallas as pl
from jax.experimental.pallas import tpu as pltpu
from jax.experimental.pallas import tpu_sc as plsc

B, L, H = 16384, 200, 128
NC, NS = 2, 16
NW = NC * NS

S_PER_G = 5
P_PER_G = 3
G_ROWS = S_PER_G + P_PER_G


@functools.lru_cache(maxsize=None)
def _make_sc_fill_mixed(rows):
    shard = rows // NW
    groups = shard // G_ROWS
    s_rows = groups * S_PER_G
    p_rows = shard - s_rows

    def body(w_hbm, out_hbm, wrow_v, row_v, shared_v, sems):
        cid = lax.axis_index("c")
        sid = lax.axis_index("s")
        wid = sid * NC + cid
        base = wid * shard
        pbase = base + s_rows

        pltpu.sync_copy(w_hbm.at[0], wrow_v)
        vecs = [wrow_v[pl.ds(k * 16, 16)] for k in range(H // 16)]

        def fill(j, carry):
            for k in range(H // 16):
                row_v[0, j, pl.ds(k * 16, 16)] = vecs[k]
            return carry

        lax.fori_loop(0, L, fill, 0)

        @pl.when(sid == 0)
        def _():
            pltpu.sync_copy(row_v, shared_v)

        plsc.subcore_barrier()

        def issue_s(i):
            pltpu.async_copy(row_v, out_hbm.at[pl.ds(base + i, 1)],
                             sems.at[0])

        def issue_p(i):
            pltpu.async_copy(shared_v, out_hbm.at[pl.ds(pbase + i, 1)],
                             sems.at[1])

        def wait_s():
            pltpu.make_async_copy(
                row_v, out_hbm.at[pl.ds(base, 1)], sems.at[0]).wait()

        def wait_p():
            pltpu.make_async_copy(
                shared_v, out_hbm.at[pl.ds(pbase, 1)], sems.at[1]).wait()

        for k in range(S_PER_G):
            issue_s(k)
        for k in range(P_PER_G):
            issue_p(k)

        def go(g, carry):
            for k in range(S_PER_G):
                wait_s()
                issue_s((g + 1) * S_PER_G + k)
            for k in range(P_PER_G):
                wait_p()
                issue_p((g + 1) * P_PER_G + k)
            return carry

        lax.fori_loop(0, groups - 1, go, 0)
        for k in range(S_PER_G):
            wait_s()
        for k in range(P_PER_G):
            wait_p()
        tail = p_rows - groups * P_PER_G
        for k in range(tail):
            pltpu.async_copy(
                shared_v,
                out_hbm.at[pl.ds(pbase + groups * P_PER_G + k, 1)],
                sems.at[1])
        for k in range(tail):
            wait_p()

    return pl.kernel(
        body,
        out_type=jax.ShapeDtypeStruct((rows, L, H), jnp.float32),
        mesh=plsc.VectorSubcoreMesh(core_axis_name="c", subcore_axis_name="s",
                                    num_cores=NC, num_subcores=NS),
        scratch_types=[
            pltpu.VMEM((H,), jnp.float32),
            pltpu.VMEM((1, L, H), jnp.float32),
            pltpu.VMEM_SHARED((1, L, H), jnp.float32),
            pltpu.SemaphoreType.DMA((2,)),
        ],
    )


def kernel(input_ids, embed_weight):
    return _make_sc_fill_mixed(B)(embed_weight)

# --- scband reference (transcript-rebuilt; emitter-appended) ---
"""Pipeline reference for scband-sync-tower-15272903705361 (READ-ONLY COPY).

The authoritative reference and input builder live on the scoring server;
editing this copy changes nothing except your own understanding.
"""

import jax, jax.numpy as jnp
import numpy as np

HIDDEN_DIM = 128
BATCH = 16384
HIST_LEN = 200


def setup_inputs(seed: int = 0) -> dict:
    key = jax.random.key(seed)
    k1, k2 = jax.random.split(key)
    input_ids = jax.random.randint(k1, (BATCH, HIST_LEN), 0, 1, dtype=jnp.int64 if jax.config.jax_enable_x64 else jnp.int32)
    # nn.Embedding(1, hidden_dim) weight ~ N(0, 1)
    embed_weight = jax.random.normal(k2, (1, HIDDEN_DIM), dtype=jnp.float32)
    return {"input_ids": input_ids, "embed_weight": embed_weight}


def reference(input_ids, embed_weight):
    # forward zeroes out input_ids then performs the embedding lookup
    zero_ids = jnp.zeros_like(input_ids)
    tokens = jnp.take(embed_weight, zero_ids, axis=0)
    return tokens

if __name__ == "__main__":
    import jax
    _d = setup_inputs()
    print(jax.jit(kernel)(*tuple(_d.values())))

</pallas_src>

<mosaic_0001>
#map = affine_map<(d0, d1) -> (0, 0)>
#map1 = affine_map<(d0, d1) -> (0, 0, 0)>
module attributes {stable_mosaic.version = 14 : i64} {
  func.func @body(%arg0: i32, %arg1: i32, %arg2: memref<1x128xf32, #tpu.memory_space<hbm>>, %arg3: memref<16384x200x128xf32, #tpu.memory_space<hbm>>, %arg4: memref<128xf32, #tpu.memory_space<vmem>>, %arg5: memref<1x200x128xf32, #tpu.memory_space<vmem>>, %arg6: memref<1x200x128xf32, #tpu.memory_space<vmem_shared>>, %arg7: memref<2x!tpu.dma_semaphore, #tpu.memory_space<semaphore_mem>>) attributes {dimension_semantics = [#tpu.dimension_semantics<core_parallel>, #tpu.dimension_semantics<subcore_parallel>], iteration_bounds = array<i64: 2, 16>, scalar_prefetch = 0 : i64, scratch_operands = 4 : i64, tpu.core_type = #tpu.core_type<sc_vector_subcore>, window_params = [{transform_indices = #map}, {transform_indices = #map1}]} {
    %mul3A = arith.constant 2 : i32
    %mul3A_0 = arith.muli %arg1, %mul3A : i32
    %add3A = arith.addi %mul3A_0, %arg0 : i32
    %mul3A_1 = arith.constant 512 : i32
    %mul3A_2 = arith.muli %add3A, %mul3A_1 : i32
    %add3A_3 = arith.constant 320 : i32
    %add3A_4 = arith.addi %mul3A_2, %add3A_3 : i32
    %run_scoped3A = arith.constant 0 : i32
    "tpu.region"() ({
      %run_scoped3A_181 = tpu.sem_alloc : memref<!tpu.dma_semaphore, #tpu.memory_space<semaphore_mem>>
      %dma_start3A_182 = arith.constant 0 : i32
      %dma_start3A_183 = tpu.memref_slice %arg2[%run_scoped3A, %dma_start3A_182] : memref<1x128xf32, #tpu.memory_space<hbm>> -> memref<1x128xf32, #tpu.memory_space<hbm>>
      %dma_start3A_184 = tpu.memref_squeeze %dma_start3A_183 : memref<1x128xf32, #tpu.memory_space<hbm>> -> memref<128xf32, #tpu.memory_space<hbm>>
      %dma_start3A_185 = arith.constant 0 : i32
      %dma_start3A_186 = tpu.memref_slice %arg2[%run_scoped3A, %dma_start3A_185] : memref<1x128xf32, #tpu.memory_space<hbm>> -> memref<1x128xf32, #tpu.memory_space<hbm>>
      %dma_start3A_187 = tpu.memref_squeeze %dma_start3A_186 : memref<1x128xf32, #tpu.memory_space<hbm>> -> memref<128xf32, #tpu.memory_space<hbm>>
      tpu.enqueue_dma source(%dma_start3A_187 : memref<128xf32, #tpu.memory_space<hbm>>) target(%arg4 : memref<128xf32, #tpu.memory_space<vmem>>) target_semaphore(%run_scoped3A_181 : memref<!tpu.dma_semaphore, #tpu.memory_space<semaphore_mem>>)
      %dma_wait3A_188 = arith.constant 0 : i32
      %dma_wait3A_189 = tpu.memref_slice %arg2[%run_scoped3A, %dma_wait3A_188] : memref<1x128xf32, #tpu.memory_space<hbm>> -> memref<1x128xf32, #tpu.memory_space<hbm>>
      %dma_wait3A_190 = tpu.memref_squeeze %dma_wait3A_189 : memref<1x128xf32, #tpu.memory_space<hbm>> -> memref<128xf32, #tpu.memory_space<hbm>>
      %dma_wait3A_191 = arith.constant 0 : i32
      %dma_wait3A_192 = tpu.memref_slice %arg2[%run_scoped3A, %dma_wait3A_191] : memref<1x128xf32, #tpu.memory_space<hbm>> -> memref<1x128xf32, #tpu.memory_space<hbm>>
      %dma_wait3A_193 = tpu.memref_squeeze %dma_wait3A_192 : memref<1x128xf32, #tpu.memory_space<hbm>> -> memref<128xf32, #tpu.memory_space<hbm>>
      tpu.wait_dma2 semaphore(%run_scoped3A_181 : memref<!tpu.dma_semaphore, #tpu.memory_space<semaphore_mem>>) src(%dma_wait3A_193 : memref<128xf32, #tpu.memory_space<hbm>>) dst(%arg4 : memref<128xf32, #tpu.memory_space<vmem>>)
      tpu.yield
    }) : () -> ()
    %get3A = arith.constant 0 : index
    %get3A_5 = tpu.vector_load %arg4[%get3A] {strides = array<i32>} : memref<128xf32, #tpu.memory_space<vmem>>, vector<16xf32>,
    %get3A_6 = vector.shape_cast %get3A_5 : vector<16xf32> to vector<16xf32>
    %get3A_7 = arith.constant 16 : index
    %get3A_8 = tpu.vector_load %arg4[%get3A_7] {strides = array<i32>} : memref<128xf32, #tpu.memory_space<vmem>>, vector<16xf32>,
    %get3A_9 = vector.shape_cast %get3A_8 : vector<16xf32> to vector<16xf32>
    %get3A_10 = arith.constant 32 : index
    %get3A_11 = tpu.vector_load %arg4[%get3A_10] {strides = array<i32>} : memref<128xf32, #tpu.memory_space<vmem>>, vector<16xf32>,
    %get3A_12 = vector.shape_cast %get3A_11 : vector<16xf32> to vector<16xf32>
    %get3A_13 = arith.constant 48 : index
    %get3A_14 = tpu.vector_load %arg4[%get3A_13] {strides = array<i32>} : memref<128xf32, #tpu.memory_space<vmem>>, vector<16xf32>,
    %get3A_15 = vector.shape_cast %get3A_14 : vector<16xf32> to vector<16xf32>
    %get3A_16 = arith.constant 64 : index
    %get3A_17 = tpu.vector_load %arg4[%get3A_16] {strides = array<i32>} : memref<128xf32, #tpu.memory_space<vmem>>, vector<16xf32>,
    %get3A_18 = vector.shape_cast %get3A_17 : vector<16xf32> to vector<16xf32>
    %get3A_19 = arith.constant 80 : index
    %get3A_20 = tpu.vector_load %arg4[%get3A_19] {strides = array<i32>} : memref<128xf32, #tpu.memory_space<vmem>>, vector<16xf32>,
    %get3A_21 = vector.shape_cast %get3A_20 : vector<16xf32> to vector<16xf32>
    %get3A_22 = arith.constant 96 : index
    %get3A_23 = tpu.vector_load %arg4[%get3A_22] {strides = array<i32>} : memref<128xf32, #tpu.memory_space<vmem>>, vector<16xf32>,
    %get3A_24 = vector.shape_cast %get3A_23 : vector<16xf32> to vector<16xf32>
    %get3A_25 = arith.constant 112 : index
    %get3A_26 = tpu.vector_load %arg4[%get3A_25] {strides = array<i32>} : memref<128xf32, #tpu.memory_space<vmem>>, vector<16xf32>,
    %get3A_27 = vector.shape_cast %get3A_26 : vector<16xf32> to vector<16xf32>
    %scan3A = arith.constant 0 : i32
    %scan3A_28 = arith.constant 0 : i32
    %scan3A_29 = arith.constant 200 : i32
    %scan3A_30 = arith.addi %scan3A_28, %scan3A_29 : i32
    %scan3A_31 = arith.constant 1 : i32
    scf.for %scan3A_181 = %scan3A_28 to %scan3A_30 step %scan3A_31  : i32 {
      %swap3A = arith.constant 0 : i32
      %swap3A_182 = arith.index_cast %swap3A : i32 to index
      %swap3A_183 = arith.index_cast %scan3A_181 : i32 to index
      %swap3A_184 = arith.constant 0 : index
      %swap3A_185 = tpu.vector_load %arg5[%swap3A_182, %swap3A_183, %swap3A_184] {strides = array<i32>} : memref<1x200x128xf32, #tpu.memory_space<vmem>>, vector<1x1x16xf32>,
      %swap3A_186 = vector.shape_cast %swap3A_185 : vector<1x1x16xf32> to vector<16xf32>
      %swap3A_187 = vector.shape_cast %get3A_6 : vector<16xf32> to vector<1x1x16xf32>
      tpu.vector_store %arg5[%swap3A_182, %swap3A_183, %swap3A_184], %swap3A_187 {strides = array<i32>} : memref<1x200x128xf32, #tpu.memory_space<vmem>>, vector<1x1x16xf32>,
      %swap3A_188 = arith.constant 0 : i32
      %swap3A_189 = arith.index_cast %swap3A_188 : i32 to index
      %swap3A_190 = arith.index_cast %scan3A_181 : i32 to index
      %swap3A_191 = arith.constant 16 : index
      %swap3A_192 = tpu.vector_load %arg5[%swap3A_189, %swap3A_190, %swap3A_191] {strides = array<i32>} : memref<1x200x128xf32, #tpu.memory_space<vmem>>, vector<1x1x16xf32>,
      %swap3A_193 = vector.shape_cast %swap3A_192 : vector<1x1x16xf32> to vector<16xf32>
      %swap3A_194 = vector.shape_cast %get3A_9 : vector<16xf32> to vector<1x1x16xf32>
      tpu.vector_store %arg5[%swap3A_189, %swap3A_190, %swap3A_191], %swap3A_194 {strides = array<i32>} : memref<1x200x128xf32, #tpu.memory_space<vmem>>, vector<1x1x16xf32>,
      %swap3A_195 = arith.constant 0 : i32
      %swap3A_196 = arith.index_cast %swap3A_195 : i32 to index
      %swap3A_197 = arith.index_cast %scan3A_181 : i32 to index
      %swap3A_198 = arith.constant 32 : index
      %swap3A_199 = tpu.vector_load %arg5[%swap3A_196, %swap3A_197, %swap3A_198] {strides = array<i32>} : memref<1x200x128xf32, #tpu.memory_space<vmem>>, vector<1x1x16xf32>,
      %swap3A_200 = vector.shape_cast %swap3A_199 : vector<1x1x16xf32> to vector<16xf32>
      %swap3A_201 = vector.shape_cast %get3A_12 : vector<16xf32> to vector<1x1x16xf32>
      tpu.vector_store %arg5[%swap3A_196, %swap3A_197, %swap3A_198], %swap3A_201 {strides = array<i32>} : memref<1x200x128xf32, #tpu.memory_space<vmem>>, vector<1x1x16xf32>,
      %swap3A_202 = arith.constant 0 : i32
      %swap3A_203 = arith.index_cast %swap3A_202 : i32 to index
      %swap3A_204 = arith.index_cast %scan3A_181 : i32 to index
      %swap3A_205 = arith.constant 48 : index
      %swap3A_206 = tpu.vector_load %arg5[%swap3A_203, %swap3A_204, %swap3A_205] {strides = array<i32>} : memref<1x200x128xf32, #tpu.memory_space<vmem>>, vector<1x1x16xf32>,
      %swap3A_207 = vector.shape_cast %swap3A_206 : vector<1x1x16xf32> to vector<16xf32>
      %swap3A_208 = vector.shape_cast %get3A_15 : vector<16xf32> to vector<1x1x16xf32>
      tpu.vector_store %arg5[%swap3A_203, %swap3A_204, %swap3A_205], %swap3A_208 {strides = array<i32>} : memref<1x200x128xf32, #tpu.memory_space<vmem>>, vector<1x1x16xf32>,
      %swap3A_209 = arith.constant 0 : i32
      %swap3A_210 = arith.index_cast %swap3A_209 : i32 to index
      %swap3A_211 = arith.index_cast %scan3A_181 : i32 to index
      %swap3A_212 = arith.constant 64 : index
      %swap3A_213 = tpu.vector_load %arg5[%swap3A_210, %swap3A_211, %swap3A_212] {strides = array<i32>} : memref<1x200x128xf32, #tpu.memory_space<vmem>>, vector<1x1x16xf32>,
      %swap3A_214 = vector.shape_cast %swap3A_213 : vector<1x1x16xf32> to vector<16xf32>
      %swap3A_215 = vector.shape_cast %get3A_18 : vector<16xf32> to vector<1x1x16xf32>
      tpu.vector_store %arg5[%swap3A_210, %swap3A_211, %swap3A_212], %swap3A_215 {strides = array<i32>} : memref<1x200x128xf32, #tpu.memory_space<vmem>>, vector<1x1x16xf32>,
      %swap3A_216 = arith.constant 0 : i32
      %swap3A_217 = arith.index_cast %swap3A_216 : i32 to index
      %swap3A_218 = arith.index_cast %scan3A_181 : i32 to index
      %swap3A_219 = arith.constant 80 : index
      %swap3A_220 = tpu.vector_load %arg5[%swap3A_217, %swap3A_218, %swap3A_219] {strides = array<i32>} : memref<1x200x128xf32, #tpu.memory_space<vmem>>, vector<1x1x16xf32>,
      %swap3A_221 = vector.shape_cast %swap3A_220 : vector<1x1x16xf32> to vector<16xf32>
      %swap3A_222 = vector.shape_cast %get3A_21 : vector<16xf32> to vector<1x1x16xf32>
      tpu.vector_store %arg5[%swap3A_217, %swap3A_218, %swap3A_219], %swap3A_222 {strides = array<i32>} : memref<1x200x128xf32, #tpu.memory_space<vmem>>, vector<1x1x16xf32>,
      %swap3A_223 = arith.constant 0 : i32
      %swap3A_224 = arith.index_cast %swap3A_223 : i32 to index
      %swap3A_225 = arith.index_cast %scan3A_181 : i32 to index
      %swap3A_226 = arith.constant 96 : index
      %swap3A_227 = tpu.vector_load %arg5[%swap3A_224, %swap3A_225, %swap3A_226] {strides = array<i32>} : memref<1x200x128xf32, #tpu.memory_space<vmem>>, vector<1x1x16xf32>,
      %swap3A_228 = vector.shape_cast %swap3A_227 : vector<1x1x16xf32> to vector<16xf32>
      %swap3A_229 = vector.shape_cast %get3A_24 : vector<16xf32> to vector<1x1x16xf32>
      tpu.vector_store %arg5[%swap3A_224, %swap3A_225, %swap3A_226], %swap3A_229 {strides = array<i32>} : memref<1x200x128xf32, #tpu.memory_space<vmem>>, vector<1x1x16xf32>,
      %swap3A_230 = arith.constant 0 : i32
      %swap3A_231 = arith.index_cast %swap3A_230 : i32 to index
      %swap3A_232 = arith.index_cast %scan3A_181 : i32 to index
      %swap3A_233 = arith.constant 112 : index
      %swap3A_234 = tpu.vector_load %arg5[%swap3A_231, %swap3A_232, %swap3A_233] {strides = array<i32>} : memref<1x200x128xf32, #tpu.memory_space<vmem>>, vector<1x1x16xf32>,
      %swap3A_235 = vector.shape_cast %swap3A_234 : vector<1x1x16xf32> to vector<16xf32>
      %swap3A_236 = vector.shape_cast %get3A_27 : vector<16xf32> to vector<1x1x16xf32>
      tpu.vector_store %arg5[%swap3A_231, %swap3A_232, %swap3A_233], %swap3A_236 {strides = array<i32>} : memref<1x200x128xf32, #tpu.memory_space<vmem>>, vector<1x1x16xf32>,
    }
    %scan3A_32 = arith.constant 200 : i32
    %eq3A = arith.constant 0 : i32
    %eq3A_33 = arith.cmpi eq, %arg1, %eq3A : i32
    %convert_element_type3A = arith.extui %eq3A_33 : i1 to i32
    %cond3A = arith.constant 0 : i32
    %cond3A_34 = arith.cmpi ne, %convert_element_type3A, %cond3A : i32
    scf.if %cond3A_34 {
      "tpu.region"() ({
        %run_scoped3A_181 = tpu.sem_alloc : memref<!tpu.dma_semaphore, #tpu.memory_space<semaphore_mem>>
        tpu.enqueue_dma source(%arg5 : memref<1x200x128xf32, #tpu.memory_space<vmem>>) target(%arg6 : memref<1x200x128xf32, #tpu.memory_space<vmem_shared>>) target_semaphore(%run_scoped3A_181 : memref<!tpu.dma_semaphore, #tpu.memory_space<semaphore_mem>>)
        tpu.wait_dma2 semaphore(%run_scoped3A_181 : memref<!tpu.dma_semaphore, #tpu.memory_space<semaphore_mem>>) src(%arg5 : memref<1x200x128xf32, #tpu.memory_space<vmem>>) dst(%arg6 : memref<1x200x128xf32, #tpu.memory_space<vmem_shared>>)
        tpu.yield
      }) : () -> ()
    } else {
    }
    %barrier3A = arith.constant 0 : index
    tpu.barrier barrier_id(%barrier3A)
    %add3A_35 = arith.constant 0 : i32
    %add3A_36 = arith.addi %mul3A_2, %add3A_35 : i32
    %dma_start3A = arith.constant 0 : i32
    %dma_start3A_37 = arith.constant 0 : i32
    %dma_start3A_38 = arith.constant 0 : i32
    %dma_start3A_39 = tpu.memref_slice %arg3[%add3A_36, %dma_start3A_37, %dma_start3A_38] : memref<16384x200x128xf32, #tpu.memory_space<hbm>> -> memref<1x200x128xf32, #tpu.memory_space<hbm>>
    %dma_start3A_40 = tpu.memref_slice %arg7[%dma_start3A] : memref<2x!tpu.dma_semaphore, #tpu.memory_space<semaphore_mem>> -> memref<1x!tpu.dma_semaphore, #tpu.memory_space<semaphore_mem>>
    %dma_start3A_41 = tpu.memref_squeeze %dma_start3A_40 : memref<1x!tpu.dma_semaphore, #tpu.memory_space<semaphore_mem>> -> memref<!tpu.dma_semaphore, #tpu.memory_space<semaphore_mem>>
    %dma_start3A_42 = arith.constant 0 : i32
    %dma_start3A_43 = arith.constant 0 : i32
    %dma_start3A_44 = tpu.memref_slice %arg3[%add3A_36, %dma_start3A_42, %dma_start3A_43] : memref<16384x200x128xf32, #tpu.memory_space<hbm>> -> memref<1x200x128xf32, #tpu.memory_space<hbm>>
    tpu.enqueue_dma source(%arg5 : memref<1x200x128xf32, #tpu.memory_space<vmem>>) target(%dma_start3A_44 : memref<1x200x128xf32, #tpu.memory_space<hbm>>) target_semaphore(%dma_start3A_41 : memref<!tpu.dma_semaphore, #tpu.memory_space<semaphore_mem>>)
    %add3A_45 = arith.constant 1 : i32
    %add3A_46 = arith.addi %mul3A_2, %add3A_45 : i32
    %dma_start3A_47 = arith.constant 0 : i32
    %dma_start3A_48 = arith.constant 0 : i32
    %dma_start3A_49 = arith.constant 0 : i32
    %dma_start3A_50 = tpu.memref_slice %arg3[%add3A_46, %dma_start3A_48, %dma_start3A_49] : memref<16384x200x128xf32, #tpu.memory_space<hbm>> -> memref<1x200x128xf32, #tpu.memory_space<hbm>>
    %dma_start3A_51 = tpu.memref_slice %arg7[%dma_start3A_47] : memref<2x!tpu.dma_semaphore, #tpu.memory_space<semaphore_mem>> -> memref<1x!tpu.dma_semaphore, #tpu.memory_space<semaphore_mem>>
    %dma_start3A_52 = tpu.memref_squeeze %dma_start3A_51 : memref<1x!tpu.dma_semaphore, #tpu.memory_space<semaphore_mem>> -> memref<!tpu.dma_semaphore, #tpu.memory_space<semaphore_mem>>
    %dma_start3A_53 = arith.constant 0 : i32
    %dma_start3A_54 = arith.constant 0 : i32
    %dma_start3A_55 = tpu.memref_slice %arg3[%add3A_46, %dma_start3A_53, %dma_start3A_54] : memref<16384x200x128xf32, #tpu.memory_space<hbm>> -> memref<1x200x128xf32, #tpu.memory_space<hbm>>
    tpu.enqueue_dma source(%arg5 : memref<1x200x128xf32, #tpu.memory_space<vmem>>) target(%dma_start3A_55 : memref<1x200x128xf32, #tpu.memory_space<hbm>>) target_semaphore(%dma_start3A_52 : memref<!tpu.dma_semaphore, #tpu.memory_space<semaphore_mem>>)
    %add3A_56 = arith.constant 2 : i32
    %add3A_57 = arith.addi %mul3A_2, %add3A_56 : i32
    %dma_start3A_58 = arith.constant 0 : i32
    %dma_start3A_59 = arith.constant 0 : i32
    %dma_start3A_60 = arith.constant 0 : i32
    %dma_start3A_61 = tpu.memref_slice %arg3[%add3A_57, %dma_start3A_59, %dma_start3A_60] : memref<16384x200x128xf32, #tpu.memory_space<hbm>> -> memref<1x200x128xf32, #tpu.memory_space<hbm>>
    %dma_start3A_62 = tpu.memref_slice %arg7[%dma_start3A_58] : memref<2x!tpu.dma_semaphore, #tpu.memory_space<semaphore_mem>> -> memref<1x!tpu.dma_semaphore, #tpu.memory_space<semaphore_mem>>
    %dma_start3A_63 = tpu.memref_squeeze %dma_start3A_62 : memref<1x!tpu.dma_semaphore, #tpu.memory_space<semaphore_mem>> -> memref<!tpu.dma_semaphore, #tpu.memory_space<semaphore_mem>>
    %dma_start3A_64 = arith.constant 0 : i32
    %dma_start3A_65 = arith.constant 0 : i32
    %dma_start3A_66 = tpu.memref_slice %arg3[%add3A_57, %dma_start3A_64, %dma_start3A_65] : memref<16384x200x128xf32, #tpu.memory_space<hbm>> -> memref<1x200x128xf32, #tpu.memory_space<hbm>>
    tpu.enqueue_dma source(%arg5 : memref<1x200x128xf32, #tpu.memory_space<vmem>>) target(%dma_start3A_66 : memref<1x200x128xf32, #tpu.memory_space<hbm>>) target_semaphore(%dma_start3A_63 : memref<!tpu.dma_semaphore, #tpu.memory_space<semaphore_mem>>)
    %add3A_67 = arith.constant 3 : i32
    %add3A_68 = arith.addi %mul3A_2, %add3A_67 : i32
    %dma_start3A_69 = arith.constant 0 : i32
    %dma_start3A_70 = arith.constant 0 : i32
    %dma_start3A_71 = arith.constant 0 : i32
    %dma_start3A_72 = tpu.memref_slice %arg3[%add3A_68, %dma_start3A_70, %dma_start3A_71] : memref<16384x200x128xf32, #tpu.memory_space<hbm>> -> memref<1x200x128xf32, #tpu.memory_space<hbm>>
    %dma_start3A_73 = tpu.memref_slice %arg7[%dma_start3A_69] : memref<2x!tpu.dma_semaphore, #tpu.memory_space<semaphore_mem>> -> memref<1x!tpu.dma_semaphore, #tpu.memory_space<semaphore_mem>>
    %dma_start3A_74 = tpu.memref_squeeze %dma_start3A_73 : memref<1x!tpu.dma_semaphore, #tpu.memory_space<semaphore_mem>> -> memref<!tpu.dma_semaphore, #tpu.memory_space<semaphore_mem>>
    %dma_start3A_75 = arith.constant 0 : i32
    %dma_start3A_76 = arith.constant 0 : i32
    %dma_start3A_77 = tpu.memref_slice %arg3[%add3A_68, %dma_start3A_75, %dma_start3A_76] : memref<16384x200x128xf32, #tpu.memory_space<hbm>> -> memref<1x200x128xf32, #tpu.memory_space<hbm>>
    tpu.enqueue_dma source(%arg5 : memref<1x200x128xf32, #tpu.memory_space<vmem>>) target(%dma_start3A_77 : memref<1x200x128xf32, #tpu.memory_space<hbm>>) target_semaphore(%dma_start3A_74 : memref<!tpu.dma_semaphore, #tpu.memory_space<semaphore_mem>>)
    %add3A_78 = arith.constant 4 : i32
    %add3A_79 = arith.addi %mul3A_2, %add3A_78 : i32
    %dma_start3A_80 = arith.constant 0 : i32
    %dma_start3A_81 = arith.constant 0 : i32
    %dma_start3A_82 = arith.constant 0 : i32
    %dma_start3A_83 = tpu.memref_slice %arg3[%add3A_79, %dma_start3A_81, %dma_start3A_82] : memref<16384x200x128xf32, #tpu.memory_space<hbm>> -> memref<1x200x128xf32, #tpu.memory_space<hbm>>
    %dma_start3A_84 = tpu.memref_slice %arg7[%dma_start3A_80] : memref<2x!tpu.dma_semaphore, #tpu.memory_space<semaphore_mem>> -> memref<1x!tpu.dma_semaphore, #tpu.memory_space<semaphore_mem>>
    %dma_start3A_85 = tpu.memref_squeeze %dma_start3A_84 : memref<1x!tpu.dma_semaphore, #tpu.memory_space<semaphore_mem>> -> memref<!tpu.dma_semaphore, #tpu.memory_space<semaphore_mem>>
    %dma_start3A_86 = arith.constant 0 : i32
    %dma_start3A_87 = arith.constant 0 : i32
    %dma_start3A_88 = tpu.memref_slice %arg3[%add3A_79, %dma_start3A_86, %dma_start3A_87] : memref<16384x200x128xf32, #tpu.memory_space<hbm>> -> memref<1x200x128xf32, #tpu.memory_space<hbm>>
    tpu.enqueue_dma source(%arg5 : memref<1x200x128xf32, #tpu.memory_space<vmem>>) target(%dma_start3A_88 : memref<1x200x128xf32, #tpu.memory_space<hbm>>) target_semaphore(%dma_start3A_85 : memref<!tpu.dma_semaphore, #tpu.memory_space<semaphore_mem>>)
    %add3A_89 = arith.constant 0 : i32
    %add3A_90 = arith.addi %add3A_4, %add3A_89 : i32
    %dma_start3A_91 = arith.constant 1 : i32
    %dma_start3A_92 = tpu.memref_slice %arg7[%dma_start3A_91] : memref<2x!tpu.dma_semaphore, #tpu.memory_space<semaphore_mem>> -> memref<1x!tpu.dma_semaphore, #tpu.memory_space<semaphore_mem>>
    %dma_start3A_93 = tpu.memref_squeeze %dma_start3A_92 : memref<1x!tpu.dma_semaphore, #tpu.memory_space<semaphore_mem>> -> memref<!tpu.dma_semaphore, #tpu.memory_space<semaphore_mem>>
    %dma_start3A_94 = arith.constant 0 : i32
    %dma_start3A_95 = arith.constant 0 : i32
    %dma_start3A_96 = tpu.memref_slice %arg3[%add3A_90, %dma_start3A_94, %dma_start3A_95] : memref<16384x200x128xf32, #tpu.memory_space<hbm>> -> memref<1x200x128xf32, #tpu.memory_space<hbm>>
    tpu.enqueue_dma source(%arg6 : memref<1x200x128xf32, #tpu.memory_space<vmem_shared>>) target(%dma_start3A_96 : memref<1x200x128xf32, #tpu.memory_space<hbm>>) target_semaphore(%dma_start3A_93 : memref<!tpu.dma_semaphore, #tpu.memory_space<semaphore_mem>>)
    %add3A_97 = arith.constant 1 : i32
    %add3A_98 = arith.addi %add3A_4, %add3A_97 : i32
    %dma_start3A_99 = arith.constant 1 : i32
    %dma_start3A_100 = tpu.memref_slice %arg7[%dma_start3A_99] : memref<2x!tpu.dma_semaphore, #tpu.memory_space<semaphore_mem>> -> memref<1x!tpu.dma_semaphore, #tpu.memory_space<semaphore_mem>>
    %dma_start3A_101 = tpu.memref_squeeze %dma_start3A_100 : memref<1x!tpu.dma_semaphore, #tpu.memory_space<semaphore_mem>> -> memref<!tpu.dma_semaphore, #tpu.memory_space<semaphore_mem>>
    %dma_start3A_102 = arith.constant 0 : i32
    %dma_start3A_103 = arith.constant 0 : i32
    %dma_start3A_104 = tpu.memref_slice %arg3[%add3A_98, %dma_start3A_102, %dma_start3A_103] : memref<16384x200x128xf32, #tpu.memory_space<hbm>> -> memref<1x200x128xf32, #tpu.memory_space<hbm>>
    tpu.enqueue_dma source(%arg6 : memref<1x200x128xf32, #tpu.memory_space<vmem_shared>>) target(%dma_start3A_104 : memref<1x200x128xf32, #tpu.memory_space<hbm>>) target_semaphore(%dma_start3A_101 : memref<!tpu.dma_semaphore, #tpu.memory_space<semaphore_mem>>)
    %add3A_105 = arith.constant 2 : i32
    %add3A_106 = arith.addi %add3A_4, %add3A_105 : i32
    %dma_start3A_107 = arith.constant 1 : i32
    %dma_start3A_108 = tpu.memref_slice %arg7[%dma_start3A_107] : memref<2x!tpu.dma_semaphore, #tpu.memory_space<semaphore_mem>> -> memref<1x!tpu.dma_semaphore, #tpu.memory_space<semaphore_mem>>
    %dma_start3A_109 = tpu.memref_squeeze %dma_start3A_108 : memref<1x!tpu.dma_semaphore, #tpu.memory_space<semaphore_mem>> -> memref<!tpu.dma_semaphore, #tpu.memory_space<semaphore_mem>>
    %dma_start3A_110 = arith.constant 0 : i32
    %dma_start3A_111 = arith.constant 0 : i32
    %dma_start3A_112 = tpu.memref_slice %arg3[%add3A_106, %dma_start3A_110, %dma_start3A_111] : memref<16384x200x128xf32, #tpu.memory_space<hbm>> -> memref<1x200x128xf32, #tpu.memory_space<hbm>>
    tpu.enqueue_dma source(%arg6 : memref<1x200x128xf32, #tpu.memory_space<vmem_shared>>) target(%dma_start3A_112 : memref<1x200x128xf32, #tpu.memory_space<hbm>>) target_semaphore(%dma_start3A_109 : memref<!tpu.dma_semaphore, #tpu.memory_space<semaphore_mem>>)
    %scan3A_113 = arith.constant 0 : i32
    %scan3A_114 = arith.constant 0 : i32
    %scan3A_115 = arith.constant 63 : i32
    %scan3A_116 = arith.addi %scan3A_114, %scan3A_115 : i32
    %scan3A_117 = arith.constant 1 : i32
    scf.for %scan3A_181 = %scan3A_114 to %scan3A_116 step %scan3A_117  : i32 {
      %dma_wait3A_182 = arith.constant 0 : i32
      %dma_wait3A_183 = arith.constant 0 : i32
      %dma_wait3A_184 = arith.constant 0 : i32
      %dma_wait3A_185 = tpu.memref_slice %arg3[%mul3A_2, %dma_wait3A_183, %dma_wait3A_184] : memref<16384x200x128xf32, #tpu.memory_space<hbm>> -> memref<1x200x128xf32, #tpu.memory_space<hbm>>
      %dma_wait3A_186 = tpu.memref_slice %arg7[%dma_wait3A_182] : memref<2x!tpu.dma_semaphore, #tpu.memory_space<semaphore_mem>> -> memref<1x!tpu.dma_semaphore, #tpu.memory_space<semaphore_mem>>
      %dma_wait3A_187 = tpu.memref_squeeze %dma_wait3A_186 : memref<1x!tpu.dma_semaphore, #tpu.memory_space<semaphore_mem>> -> memref<!tpu.dma_semaphore, #tpu.memory_space<semaphore_mem>>
      %dma_wait3A_188 = arith.constant 0 : i32
      %dma_wait3A_189 = arith.constant 0 : i32
      %dma_wait3A_190 = tpu.memref_slice %arg3[%mul3A_2, %dma_wait3A_188, %dma_wait3A_189] : memref<16384x200x128xf32, #tpu.memory_space<hbm>> -> memref<1x200x128xf32, #tpu.memory_space<hbm>>
      tpu.wait_dma2 semaphore(%dma_wait3A_187 : memref<!tpu.dma_semaphore, #tpu.memory_space<semaphore_mem>>) src(%arg5 : memref<1x200x128xf32, #tpu.memory_space<vmem>>) dst(%dma_wait3A_190 : memref<1x200x128xf32, #tpu.memory_space<hbm>>)
      %add3A_191 = arith.constant 1 : i32
      %add3A_192 = arith.addi %scan3A_181, %add3A_191 : i32
      %mul3A_193 = arith.constant 5 : i32
      %mul3A_194 = arith.muli %add3A_192, %mul3A_193 : i32
      %add3A_195 = arith.constant 0 : i32
      %add3A_196 = arith.addi %mul3A_194, %add3A_195 : i32
      %add3A_197 = arith.addi %mul3A_2, %add3A_196 : i32
      %dma_start3A_198 = arith.constant 0 : i32
      %dma_start3A_199 = arith.constant 0 : i32
      %dma_start3A_200 = arith.constant 0 : i32
      %dma_start3A_201 = tpu.memref_slice %arg3[%add3A_197, %dma_start3A_199, %dma_start3A_200] : memref<16384x200x128xf32, #tpu.memory_space<hbm>> -> memref<1x200x128xf32, #tpu.memory_space<hbm>>
      %dma_start3A_202 = tpu.memref_slice %arg7[%dma_start3A_198] : memref<2x!tpu.dma_semaphore, #tpu.memory_space<semaphore_mem>> -> memref<1x!tpu.dma_semaphore, #tpu.memory_space<semaphore_mem>>
      %dma_start3A_203 = tpu.memref_squeeze %dma_start3A_202 : memref<1x!tpu.dma_semaphore, #tpu.memory_space<semaphore_mem>> -> memref<!tpu.dma_semaphore, #tpu.memory_space<semaphore_mem>>
      %dma_start3A_204 = arith.constant 0 : i32
      %dma_start3A_205 = arith.constant 0 : i32
      %dma_start3A_206 = tpu.memref_slice %arg3[%add3A_197, %dma_start3A_204, %dma_start3A_205] : memref<16384x200x128xf32, #tpu.memory_space<hbm>> -> memref<1x200x128xf32, #tpu.memory_space<hbm>>
      tpu.enqueue_dma source(%arg5 : memref<1x200x128xf32, #tpu.memory_space<vmem>>) target(%dma_start3A_206 : memref<1x200x128xf32, #tpu.memory_space<hbm>>) target_semaphore(%dma_start3A_203 : memref<!tpu.dma_semaphore, #tpu.memory_space<semaphore_mem>>)
      %dma_wait3A_207 = arith.constant 0 : i32
      %dma_wait3A_208 = arith.constant 0 : i32
      %dma_wait3A_209 = arith.constant 0 : i32
      %dma_wait3A_210 = tpu.memref_slice %arg3[%mul3A_2, %dma_wait3A_208, %dma_wait3A_209] : memref<16384x200x128xf32, #tpu.memory_space<hbm>> -> memref<1x200x128xf32, #tpu.memory_space<hbm>>
      %dma_wait3A_211 = tpu.memref_slice %arg7[%dma_wait3A_207] : memref<2x!tpu.dma_semaphore, #tpu.memory_space<semaphore_mem>> -> memref<1x!tpu.dma_semaphore, #tpu.memory_space<semaphore_mem>>
      %dma_wait3A_212 = tpu.memref_squeeze %dma_wait3A_211 : memref<1x!tpu.dma_semaphore, #tpu.memory_space<semaphore_mem>> -> memref<!tpu.dma_semaphore, #tpu.memory_space<semaphore_mem>>
      %dma_wait3A_213 = arith.constant 0 : i32
      %dma_wait3A_214 = arith.constant 0 : i32
      %dma_wait3A_215 = tpu.memref_slice %arg3[%mul3A_2, %dma_wait3A_213, %dma_wait3A_214] : memref<16384x200x128xf32, #tpu.memory_space<hbm>> -> memref<1x200x128xf32, #tpu.memory_space<hbm>>
      tpu.wait_dma2 semaphore(%dma_wait3A_212 : memref<!tpu.dma_semaphore, #tpu.memory_space<semaphore_mem>>) src(%arg5 : memref<1x200x128xf32, #tpu.memory_space<vmem>>) dst(%dma_wait3A_215 : memref<1x200x128xf32, #tpu.memory_space<hbm>>)
      %add3A_216 = arith.constant 1 : i32
      %add3A_217 = arith.addi %scan3A_181, %add3A_216 : i32
      %mul3A_218 = arith.constant 5 : i32
      %mul3A_219 = arith.muli %add3A_217, %mul3A_218 : i32
      %add3A_220 = arith.constant 1 : i32
      %add3A_221 = arith.addi %mul3A_219, %add3A_220 : i32
      %add3A_222 = arith.addi %mul3A_2, %add3A_221 : i32
      %dma_start3A_223 = arith.constant 0 : i32
      %dma_start3A_224 = arith.constant 0 : i32
      %dma_start3A_225 = arith.constant 0 : i32
      %dma_start3A_226 = tpu.memref_slice %arg3[%add3A_222, %dma_start3A_224, %dma_start3A_225] : memref<16384x200x128xf32, #tpu.memory_space<hbm>> -> memref<1x200x128xf32, #tpu.memory_space<hbm>>
      %dma_start3A_227 = tpu.memref_slice %arg7[%dma_start3A_223] : memref<2x!tpu.dma_semaphore, #tpu.memory_space<semaphore_mem>> -> memref<1x!tpu.dma_semaphore, #tpu.memory_space<semaphore_mem>>
      %dma_start3A_228 = tpu.memref_squeeze %dma_start3A_227 : memref<1x!tpu.dma_semaphore, #tpu.memory_space<semaphore_mem>> -> memref<!tpu.dma_semaphore, #tpu.memory_space<semaphore_mem>>
      %dma_start3A_229 = arith.constant 0 : i32
      %dma_start3A_230 = arith.constant 0 : i32
      %dma_start3A_231 = tpu.memref_slice %arg3[%add3A_222, %dma_start3A_229, %dma_start3A_230] : memref<16384x200x128xf32, #tpu.memory_space<hbm>> -> memref<1x200x128xf32, #tpu.memory_space<hbm>>
      tpu.enqueue_dma source(%arg5 : memref<1x200x128xf32, #tpu.memory_space<vmem>>) target(%dma_start3A_231 : memref<1x200x128xf32, #tpu.memory_space<hbm>>) target_semaphore(%dma_start3A_228 : memref<!tpu.dma_semaphore, #tpu.memory_space<semaphore_mem>>)
      %dma_wait3A_232 = arith.constant 0 : i32
      %dma_wait3A_233 = arith.constant 0 : i32
      %dma_wait3A_234 = arith.constant 0 : i32
      %dma_wait3A_235 = tpu.memref_slice %arg3[%mul3A_2, %dma_wait3A_233, %dma_wait3A_234] : memref<16384x200x128xf32, #tpu.memory_space<hbm>> -> memref<1x200x128xf32, #tpu.memory_space<hbm>>
      %dma_wait3A_236 = tpu.memref_slice %arg7[%dma_wait3A_232] : memref<2x!tpu.dma_semaphore, #tpu.memory_space<semaphore_mem>> -> memref<1x!tpu.dma_semaphore, #tpu.memory_space<semaphore_mem>>
      %dma_wait3A_237 = tpu.memref_squeeze %dma_wait3A_236 : memref<1x!tpu.dma_semaphore, #tpu.memory_space<semaphore_mem>> -> memref<!tpu.dma_semaphore, #tpu.memory_space<semaphore_mem>>
      %dma_wait3A_238 = arith.constant 0 : i32
      %dma_wait3A_239 = arith.constant 0 : i32
      %dma_wait3A_240 = tpu.memref_slice %arg3[%mul3A_2, %dma_wait3A_238, %dma_wait3A_239] : memref<16384x200x128xf32, #tpu.memory_space<hbm>> -> memref<1x200x128xf32, #tpu.memory_space<hbm>>
      tpu.wait_dma2 semaphore(%dma_wait3A_237 : memref<!tpu.dma_semaphore, #tpu.memory_space<semaphore_mem>>) src(%arg5 : memref<1x200x128xf32, #tpu.memory_space<vmem>>) dst(%dma_wait3A_240 : memref<1x200x128xf32, #tpu.memory_space<hbm>>)
      %add3A_241 = arith.constant 1 : i32
      %add3A_242 = arith.addi %scan3A_181, %add3A_241 : i32
      %mul3A_243 = arith.constant 5 : i32
      %mul3A_244 = arith.muli %add3A_242, %mul3A_243 : i32
      %add3A_245 = arith.constant 2 : i32
      %add3A_246 = arith.addi %mul3A_244, %add3A_245 : i32
      %add3A_247 = arith.addi %mul3A_2, %add3A_246 : i32
      %dma_start3A_248 = arith.constant 0 : i32
      %dma_start3A_249 = arith.constant 0 : i32
      %dma_start3A_250 = arith.constant 0 : i32
      %dma_start3A_251 = tpu.memref_slice %arg3[%add3A_247, %dma_start3A_249, %dma_start3A_250] : memref<16384x200x128xf32, #tpu.memory_space<hbm>> -> memref<1x200x128xf32, #tpu.memory_space<hbm>>
      %dma_start3A_252 = tpu.memref_slice %arg7[%dma_start3A_248] : memref<2x!tpu.dma_semaphore, #tpu.memory_space<semaphore_mem>> -> memref<1x!tpu.dma_semaphore, #tpu.memory_space<semaphore_mem>>
      %dma_start3A_253 = tpu.memref_squeeze %dma_start3A_252 : memref<1x!tpu.dma_semaphore, #tpu.memory_space<semaphore_mem>> -> memref<!tpu.dma_semaphore, #tpu.memory_space<semaphore_mem>>
      %dma_start3A_254 = arith.constant 0 : i32
      %dma_start3A_255 = arith.constant 0 : i32
      %dma_start3A_256 = tpu.memref_slice %arg3[%add3A_247, %dma_start3A_254, %dma_start3A_255] : memref<16384x200x128xf32, #tpu.memory_space<hbm>> -> memref<1x200x128xf32, #tpu.memory_space<hbm>>
      tpu.enqueue_dma source(%arg5 : memref<1x200x128xf32, #tpu.memory_space<vmem>>) target(%dma_start3A_256 : memref<1x200x128xf32, #tpu.memory_space<hbm>>) target_semaphore(%dma_start3A_253 : memref<!tpu.dma_semaphore, #tpu.memory_space<semaphore_mem>>)
      %dma_wait3A_257 = arith.constant 0 : i32
      %dma_wait3A_258 = arith.constant 0 : i32
      %dma_wait3A_259 = arith.constant 0 : i32
      %dma_wait3A_260 = tpu.memref_slice %arg3[%mul3A_2, %dma_wait3A_258, %dma_wait3A_259] : memref<16384x200x128xf32, #tpu.memory_space<hbm>> -> memref<1x200x128xf32, #tpu.memory_space<hbm>>
      %dma_wait3A_261 = tpu.memref_slice %arg7[%dma_wait3A_257] : memref<2x!tpu.dma_semaphore, #tpu.memory_space<semaphore_mem>> -> memref<1x!tpu.dma_semaphore, #tpu.memory_space<semaphore_mem>>
      %dma_wait3A_262 = tpu.memref_squeeze %dma_wait3A_261 : memref<1x!tpu.dma_semaphore, #tpu.memory_space<semaphore_mem>> -> memref<!tpu.dma_semaphore, #tpu.memory_space<semaphore_mem>>
      %dma_wait3A_263 = arith.constant 0 : i32
      %dma_wait3A_264 = arith.constant 0 : i32
      %dma_wait3A_265 = tpu.memref_slice %arg3[%mul3A_2, %dma_wait3A_263, %dma_wait3A_264] : memref<16384x200x128xf32, #tpu.memory_space<hbm>> -> memref<1x200x128xf32, #tpu.memory_space<hbm>>
      tpu.wait_dma2 semaphore(%dma_wait3A_262 : memref<!tpu.dma_semaphore, #tpu.memory_space<semaphore_mem>>) src(%arg5 : memref<1x200x128xf32, #tpu.memory_space<vmem>>) dst(%dma_wait3A_265 : memref<1x200x128xf32, #tpu.memory_space<hbm>>)
      %add3A_266 = arith.constant 1 : i32
      %add3A_267 = arith.addi %scan3A_181, %add3A_266 : i32
      %mul3A_268 = arith.constant 5 : i32
      %mul3A_269 = arith.muli %add3A_267, %mul3A_268 : i32
      %add3A_270 = arith.constant 3 : i32
      %add3A_271 = arith.addi %mul3A_269, %add3A_270 : i32
      %add3A_272 = arith.addi %mul3A_2, %add3A_271 : i32
      %dma_start3A_273 = arith.constant 0 : i32
      %dma_start3A_274 = arith.constant 0 : i32
      %dma_start3A_275 = arith.constant 0 : i32
      %dma_start3A_276 = tpu.memref_slice %arg3[%add3A_272, %dma_start3A_274, %dma_start3A_275] : memref<16384x200x128xf32, #tpu.memory_space<hbm>> -> memref<1x200x128xf32, #tpu.memory_space<hbm>>
      %dma_start3A_277 = tpu.memref_slice %arg7[%dma_start3A_273] : memref<2x!tpu.dma_semaphore, #tpu.memory_space<semaphore_mem>> -> memref<1x!tpu.dma_semaphore, #tpu.memory_space<semaphore_mem>>
      %dma_start3A_278 = tpu.memref_squeeze %dma_start3A_277 : memref<1x!tpu.dma_semaphore, #tpu.memory_space<semaphore_mem>> -> memref<!tpu.dma_semaphore, #tpu.memory_space<semaphore_mem>>
      %dma_start3A_279 = arith.constant 0 : i32
      %dma_start3A_280 = arith.constant 0 : i32
      %dma_start3A_281 = tpu.memref_slice %arg3[%add3A_272, %dma_start3A_279, %dma_start3A_280] : memref<16384x200x128xf32, #tpu.memory_space<hbm>> -> memref<1x200x128xf32, #tpu.memory_space<hbm>>
      tpu.enqueue_dma source(%arg5 : memref<1x200x128xf32, #tpu.memory_space<vmem>>) target(%dma_start3A_281 : memref<1x200x128xf32, #tpu.memory_space<hbm>>) target_semaphore(%dma_start3A_278 : memref<!tpu.dma_semaphore, #tpu.memory_space<semaphore_mem>>)
      %dma_wait3A_282 = arith.constant 0 : i32
      %dma_wait3A_283 = arith.constant 0 : i32
      %dma_wait3A_284 = arith.constant 0 : i32
      %dma_wait3A_285 = tpu.memref_slice %arg3[%mul3A_2, %dma_wait3A_283, %dma_wait3A_284] : memref<16384x200x128xf32, #tpu.memory_space<hbm>> -> memref<1x200x128xf32, #tpu.memory_space<hbm>>
      %dma_wait3A_286 = tpu.memref_slice %arg7[%dma_wait3A_282] : memref<2x!tpu.dma_semaphore, #tpu.memory_space<semaphore_mem>> -> memref<1x!tpu.dma_semaphore, #tpu.memory_space<semaphore_mem>>
      %dma_wait3A_287 = tpu.memref_squeeze %dma_wait3A_286 : memref<1x!tpu.dma_semaphore, #tpu.memory_space<semaphore_mem>> -> memref<!tpu.dma_semaphore, #tpu.memory_space<semaphore_mem>>
      %dma_wait3A_288 = arith.constant 0 : i32
      %dma_wait3A_289 = arith.constant 0 : i32
      %dma_wait3A_290 = tpu.memref_slice %arg3[%mul3A_2, %dma_wait3A_288, %dma_wait3A_289] : memref<16384x200x128xf32, #tpu.memory_space<hbm>> -> memref<1x200x128xf32, #tpu.memory_space<hbm>>
      tpu.wait_dma2 semaphore(%dma_wait3A_287 : memref<!tpu.dma_semaphore, #tpu.memory_space<semaphore_mem>>) src(%arg5 : memref<1x200x128xf32, #tpu.memory_space<vmem>>) dst(%dma_wait3A_290 : memref<1x200x128xf32, #tpu.memory_space<hbm>>)
      %add3A_291 = arith.constant 1 : i32
      %add3A_292 = arith.addi %scan3A_181, %add3A_291 : i32
      %mul3A_293 = arith.constant 5 : i32
      %mul3A_294 = arith.muli %add3A_292, %mul3A_293 : i32
      %add3A_295 = arith.constant 4 : i32
      %add3A_296 = arith.addi %mul3A_294, %add3A_295 : i32
      %add3A_297 = arith.addi %mul3A_2, %add3A_296 : i32
      %dma_start3A_298 = arith.constant 0 : i32
      %dma_start3A_299 = arith.constant 0 : i32
      %dma_start3A_300 = arith.constant 0 : i32
      %dma_start3A_301 = tpu.memref_slice %arg3[%add3A_297, %dma_start3A_299, %dma_start3A_300] : memref<16384x200x128xf32, #tpu.memory_space<hbm>> -> memref<1x200x128xf32, #tpu.memory_space<hbm>>
      %dma_start3A_302 = tpu.memref_slice %arg7[%dma_start3A_298] : memref<2x!tpu.dma_semaphore, #tpu.memory_space<semaphore_mem>> -> memref<1x!tpu.dma_semaphore, #tpu.memory_space<semaphore_mem>>
      %dma_start3A_303 = tpu.memref_squeeze %dma_start3A_302 : memref<1x!tpu.dma_semaphore, #tpu.memory_space<semaphore_mem>> -> memref<!tpu.dma_semaphore, #tpu.memory_space<semaphore_mem>>
      %dma_start3A_304 = arith.constant 0 : i32
      %dma_start3A_305 = arith.constant 0 : i32
      %dma_start3A_306 = tpu.memref_slice %arg3[%add3A_297, %dma_start3A_304, %dma_start3A_305] : memref<16384x200x128xf32, #tpu.memory_space<hbm>> -> memref<1x200x128xf32, #tpu.memory_space<hbm>>
      tpu.enqueue_dma source(%arg5 : memref<1x200x128xf32, #tpu.memory_space<vmem>>) target(%dma_start3A_306 : memref<1x200x128xf32, #tpu.memory_space<hbm>>) target_semaphore(%dma_start3A_303 : memref<!tpu.dma_semaphore, #tpu.memory_space<semaphore_mem>>)
      %dma_wait3A_307 = arith.constant 1 : i32
      %dma_wait3A_308 = tpu.memref_slice %arg7[%dma_wait3A_307] : memref<2x!tpu.dma_semaphore, #tpu.memory_space<semaphore_mem>> -> memref<1x!tpu.dma_semaphore, #tpu.memory_space<semaphore_mem>>
      %dma_wait3A_309 = tpu.memref_squeeze %dma_wait3A_308 : memref<1x!tpu.dma_semaphore, #tpu.memory_space<semaphore_mem>> -> memref<!tpu.dma_semaphore, #tpu.memory_space<semaphore_mem>>
      %dma_wait3A_310 = arith.constant 0 : i32
      %dma_wait3A_311 = arith.constant 0 : i32
      %dma_wait3A_312 = tpu.memref_slice %arg3[%add3A_4, %dma_wait3A_310, %dma_wait3A_311] : memref<16384x200x128xf32, #tpu.memory_space<hbm>> -> memref<1x200x128xf32, #tpu.memory_space<hbm>>
      tpu.wait_dma2 semaphore(%dma_wait3A_309 : memref<!tpu.dma_semaphore, #tpu.memory_space<semaphore_mem>>) src(%arg6 : memref<1x200x128xf32, #tpu.memory_space<vmem_shared>>) dst(%dma_wait3A_312 : memref<1x200x128xf32, #tpu.memory_space<hbm>>)
      %add3A_313 = arith.constant 1 : i32
      %add3A_314 = arith.addi %scan3A_181, %add3A_313 : i32
      %mul3A_315 = arith.constant 3 : i32
      %mul3A_316 = arith.muli %add3A_314, %mul3A_315 : i32
      %add3A_317 = arith.constant 0 : i32
      %add3A_318 = arith.addi %mul3A_316, %add3A_317 : i32
      %add3A_319 = arith.addi %add3A_4, %add3A_318 : i32
      %dma_start3A_320 = arith.constant 1 : i32
      %dma_start3A_321 = tpu.memref_slice %arg7[%dma_start3A_320] : memref<2x!tpu.dma_semaphore, #tpu.memory_space<semaphore_mem>> -> memref<1x!tpu.dma_semaphore, #tpu.memory_space<semaphore_mem>>
      %dma_start3A_322 = tpu.memref_squeeze %dma_start3A_321 : memref<1x!tpu.dma_semaphore, #tpu.memory_space<semaphore_mem>> -> memref<!tpu.dma_semaphore, #tpu.memory_space<semaphore_mem>>
      %dma_start3A_323 = arith.constant 0 : i32
      %dma_start3A_324 = arith.constant 0 : i32
      %dma_start3A_325 = tpu.memref_slice %arg3[%add3A_319, %dma_start3A_323, %dma_start3A_324] : memref<16384x200x128xf32, #tpu.memory_space<hbm>> -> memref<1x200x128xf32, #tpu.memory_space<hbm>>
      tpu.enqueue_dma source(%arg6 : memref<1x200x128xf32, #tpu.memory_space<vmem_shared>>) target(%dma_start3A_325 : memref<1x200x128xf32, #tpu.memory_space<hbm>>) target_semaphore(%dma_start3A_322 : memref<!tpu.dma_semaphore, #tpu.memory_space<semaphore_mem>>)
      %dma_wait3A_326 = arith.constant 1 : i32
      %dma_wait3A_327 = tpu.memref_slice %arg7[%dma_wait3A_326] : memref<2x!tpu.dma_semaphore, #tpu.memory_space<semaphore_mem>> -> memref<1x!tpu.dma_semaphore, #tpu.memory_space<semaphore_mem>>
      %dma_wait3A_328 = tpu.memref_squeeze %dma_wait3A_327 : memref<1x!tpu.dma_semaphore, #tpu.memory_space<semaphore_mem>> -> memref<!tpu.dma_semaphore, #tpu.memory_space<semaphore_mem>>
      %dma_wait3A_329 = arith.constant 0 : i32
      %dma_wait3A_330 = arith.constant 0 : i32
      %dma_wait3A_331 = tpu.memref_slice %arg3[%add3A_4, %dma_wait3A_329, %dma_wait3A_330] : memref<16384x200x128xf32, #tpu.memory_space<hbm>> -> memref<1x200x128xf32, #tpu.memory_space<hbm>>
      tpu.wait_dma2 semaphore(%dma_wait3A_328 : memref<!tpu.dma_semaphore, #tpu.memory_space<semaphore_mem>>) src(%arg6 : memref<1x200x128xf32, #tpu.memory_space<vmem_shared>>) dst(%dma_wait3A_331 : memref<1x200x128xf32, #tpu.memory_space<hbm>>)
      %add3A_332 = arith.constant 1 : i32
      %add3A_333 = arith.addi %scan3A_181, %add3A_332 : i32
      %mul3A_334 = arith.constant 3 : i32
      %mul3A_335 = arith.muli %add3A_333, %mul3A_334 : i32
      %add3A_336 = arith.constant 1 : i32
      %add3A_337 = arith.addi %mul3A_335, %add3A_336 : i32
      %add3A_338 = arith.addi %add3A_4, %add3A_337 : i32
      %dma_start3A_339 = arith.constant 1 : i32
      %dma_start3A_340 = tpu.memref_slice %arg7[%dma_start3A_339] : memref<2x!tpu.dma_semaphore, #tpu.memory_space<semaphore_mem>> -> memref<1x!tpu.dma_semaphore, #tpu.memory_space<semaphore_mem>>
      %dma_start3A_341 = tpu.memref_squeeze %dma_start3A_340 : memref<1x!tpu.dma_semaphore, #tpu.memory_space<semaphore_mem>> -> memref<!tpu.dma_semaphore, #tpu.memory_space<semaphore_mem>>
      %dma_start3A_342 = arith.constant 0 : i32
      %dma_start3A_343 = arith.constant 0 : i32
      %dma_start3A_344 = tpu.memref_slice %arg3[%add3A_338, %dma_start3A_342, %dma_start3A_343] : memref<16384x200x128xf32, #tpu.memory_space<hbm>> -> memref<1x200x128xf32, #tpu.memory_space<hbm>>
      tpu.enqueue_dma source(%arg6 : memref<1x200x128xf32, #tpu.memory_space<vmem_shared>>) target(%dma_start3A_344 : memref<1x200x128xf32, #tpu.memory_space<hbm>>) target_semaphore(%dma_start3A_341 : memref<!tpu.dma_semaphore, #tpu.memory_space<semaphore_mem>>)
      %dma_wait3A_345 = arith.constant 1 : i32
      %dma_wait3A_346 = tpu.memref_slice %arg7[%dma_wait3A_345] : memref<2x!tpu.dma_semaphore, #tpu.memory_space<semaphore_mem>> -> memref<1x!tpu.dma_semaphore, #tpu.memory_space<semaphore_mem>>
      %dma_wait3A_347 = tpu.memref_squeeze %dma_wait3A_346 : memref<1x!tpu.dma_semaphore, #tpu.memory_space<semaphore_mem>> -> memref<!tpu.dma_semaphore, #tpu.memory_space<semaphore_mem>>
      %dma_wait3A_348 = arith.constant 0 : i32
      %dma_wait3A_349 = arith.constant 0 : i32
      %dma_wait3A_350 = tpu.memref_slice %arg3[%add3A_4, %dma_wait3A_348, %dma_wait3A_349] : memref<16384x200x128xf32, #tpu.memory_space<hbm>> -> memref<1x200x128xf32, #tpu.memory_space<hbm>>
      tpu.wait_dma2 semaphore(%dma_wait3A_347 : memref<!tpu.dma_semaphore, #tpu.memory_space<semaphore_mem>>) src(%arg6 : memref<1x200x128xf32, #tpu.memory_space<vmem_shared>>) dst(%dma_wait3A_350 : memref<1x200x128xf32, #tpu.memory_space<hbm>>)
      %add3A_351 = arith.constant 1 : i32
      %add3A_352 = arith.addi %scan3A_181, %add3A_351 : i32
      %mul3A_353 = arith.constant 3 : i32
      %mul3A_354 = arith.muli %add3A_352, %mul3A_353 : i32
      %add3A_355 = arith.constant 2 : i32
      %add3A_356 = arith.addi %mul3A_354, %add3A_355 : i32
      %add3A_357 = arith.addi %add3A_4, %add3A_356 : i32
      %dma_start3A_358 = arith.constant 1 : i32
      %dma_start3A_359 = tpu.memref_slice %arg7[%dma_start3A_358] : memref<2x!tpu.dma_semaphore, #tpu.memory_space<semaphore_mem>> -> memref<1x!tpu.dma_semaphore, #tpu.memory_space<semaphore_mem>>
      %dma_start3A_360 = tpu.memref_squeeze %dma_start3A_359 : memref<1x!tpu.dma_semaphore, #tpu.memory_space<semaphore_mem>> -> memref<!tpu.dma_semaphore, #tpu.memory_space<semaphore_mem>>
      %dma_start3A_361 = arith.constant 0 : i32
      %dma_start3A_362 = arith.constant 0 : i32
      %dma_start3A_363 = tpu.memref_slice %arg3[%add3A_357, %dma_start3A_361, %dma_start3A_362] : memref<16384x200x128xf32, #tpu.memory_space<hbm>> -> memref<1x200x128xf32, #tpu.memory_space<hbm>>
      tpu.enqueue_dma source(%arg6 : memref<1x200x128xf32, #tpu.memory_space<vmem_shared>>) target(%dma_start3A_363 : memref<1x200x128xf32, #tpu.memory_space<hbm>>) target_semaphore(%dma_start3A_360 : memref<!tpu.dma_semaphore, #tpu.memory_space<semaphore_mem>>)
    }
    %scan3A_118 = arith.constant 63 : i32
    %dma_wait3A = arith.constant 0 : i32
    %dma_wait3A_119 = arith.constant 0 : i32
    %dma_wait3A_120 = arith.constant 0 : i32
    %dma_wait3A_121 = tpu.memref_slice %arg3[%mul3A_2, %dma_wait3A_119, %dma_wait3A_120] : memref<16384x200x128xf32, #tpu.memory_space<hbm>> -> memref<1x200x128xf32, #tpu.memory_space<hbm>>
    %dma_wait3A_122 = tpu.memref_slice %arg7[%dma_wait3A] : memref<2x!tpu.dma_semaphore, #tpu.memory_space<semaphore_mem>> -> memref<1x!tpu.dma_semaphore, #tpu.memory_space<semaphore_mem>>
    %dma_wait3A_123 = tpu.memref_squeeze %dma_wait3A_122 : memref<1x!tpu.dma_semaphore, #tpu.memory_space<semaphore_mem>> -> memref<!tpu.dma_semaphore, #tpu.memory_space<semaphore_mem>>
    %dma_wait3A_124 = arith.constant 0 : i32
    %dma_wait3A_125 = arith.constant 0 : i32
    %dma_wait3A_126 = tpu.memref_slice %arg3[%mul3A_2, %dma_wait3A_124, %dma_wait3A_125] : memref<16384x200x128xf32, #tpu.memory_space<hbm>> -> memref<1x200x128xf32, #tpu.memory_space<hbm>>
    tpu.wait_dma2 semaphore(%dma_wait3A_123 : memref<!tpu.dma_semaphore, #tpu.memory_space<semaphore_mem>>) src(%arg5 : memref<1x200x128xf32, #tpu.memory_space<vmem>>) dst(%dma_wait3A_126 : memref<1x200x128xf32, #tpu.memory_space<hbm>>)
    %dma_wait3A_127 = arith.constant 0 : i32
    %dma_wait3A_128 = arith.constant 0 : i32
    %dma_wait3A_129 = arith.constant 0 : i32
    %dma_wait3A_130 = tpu.memref_slice %arg3[%mul3A_2, %dma_wait3A_128, %dma_wait3A_129] : memref<16384x200x128xf32, #tpu.memory_space<hbm>> -> memref<1x200x128xf32, #tpu.memory_space<hbm>>
    %dma_wait3A_131 = tpu.memref_slice %arg7[%dma_wait3A_127] : memref<2x!tpu.dma_semaphore, #tpu.memory_space<semaphore_mem>> -> memref<1x!tpu.dma_semaphore, #tpu.memory_space<semaphore_mem>>
    %dma_wait3A_132 = tpu.memref_squeeze %dma_wait3A_131 : memref<1x!tpu.dma_semaphore, #tpu.memory_space<semaphore_mem>> -> memref<!tpu.dma_semaphore, #tpu.memory_space<semaphore_mem>>
    %dma_wait3A_133 = arith.constant 0 : i32
    %dma_wait3A_134 = arith.constant 0 : i32
    %dma_wait3A_135 = tpu.memref_slice %arg3[%mul3A_2, %dma_wait3A_133, %dma_wait3A_134] : memref<16384x200x128xf32, #tpu.memory_space<hbm>> -> memref<1x200x128xf32, #tpu.memory_space<hbm>>
    tpu.wait_dma2 semaphore(%dma_wait3A_132 : memref<!tpu.dma_semaphore, #tpu.memory_space<semaphore_mem>>) src(%arg5 : memref<1x200x128xf32, #tpu.memory_space<vmem>>) dst(%dma_wait3A_135 : memref<1x200x128xf32, #tpu.memory_space<hbm>>)
    %dma_wait3A_136 = arith.constant 0 : i32
    %dma_wait3A_137 = arith.constant 0 : i32
    %dma_wait3A_138 = arith.constant 0 : i32
    %dma_wait3A_139 = tpu.memref_slice %arg3[%mul3A_2, %dma_wait3A_137, %dma_wait3A_138] : memref<16384x200x128xf32, #tpu.memory_space<hbm>> -> memref<1x200x128xf32, #tpu.memory_space<hbm>>
    %dma_wait3A_140 = tpu.memref_slice %arg7[%dma_wait3A_136] : memref<2x!tpu.dma_semaphore, #tpu.memory_space<semaphore_mem>> -> memref<1x!tpu.dma_semaphore, #tpu.memory_space<semaphore_mem>>
    %dma_wait3A_141 = tpu.memref_squeeze %dma_wait3A_140 : memref<1x!tpu.dma_semaphore, #tpu.memory_space<semaphore_mem>> -> memref<!tpu.dma_semaphore, #tpu.memory_space<semaphore_mem>>
    %dma_wait3A_142 = arith.constant 0 : i32
    %dma_wait3A_143 = arith.constant 0 : i32
    %dma_wait3A_144 = tpu.memref_slice %arg3[%mul3A_2, %dma_wait3A_142, %dma_wait3A_143] : memref<16384x200x128xf32, #tpu.memory_space<hbm>> -> memref<1x200x128xf32, #tpu.memory_space<hbm>>
    tpu.wait_dma2 semaphore(%dma_wait3A_141 : memref<!tpu.dma_semaphore, #tpu.memory_space<semaphore_mem>>) src(%arg5 : memref<1x200x128xf32, #tpu.memory_space<vmem>>) dst(%dma_wait3A_144 : memref<1x200x128xf32, #tpu.memory_space<hbm>>)
    %dma_wait3A_145 = arith.constant 0 : i32
    %dma_wait3A_146 = arith.constant 0 : i32
    %dma_wait3A_147 = arith.constant 0 : i32
    %dma_wait3A_148 = tpu.memref_slice %arg3[%mul3A_2, %dma_wait3A_146, %dma_wait3A_147] : memref<16384x200x128xf32, #tpu.memory_space<hbm>> -> memref<1x200x128xf32, #tpu.memory_space<hbm>>
    %dma_wait3A_149 = tpu.memref_slice %arg7[%dma_wait3A_145] : memref<2x!tpu.dma_semaphore, #tpu.memory_space<semaphore_mem>> -> memref<1x!tpu.dma_semaphore, #tpu.memory_space<semaphore_mem>>
    %dma_wait3A_150 = tpu.memref_squeeze %dma_wait3A_149 : memref<1x!tpu.dma_semaphore, #tpu.memory_space<semaphore_mem>> -> memref<!tpu.dma_semaphore, #tpu.memory_space<semaphore_mem>>
    %dma_wait3A_151 = arith.constant 0 : i32
    %dma_wait3A_152 = arith.constant 0 : i32
    %dma_wait3A_153 = tpu.memref_slice %arg3[%mul3A_2, %dma_wait3A_151, %dma_wait3A_152] : memref<16384x200x128xf32, #tpu.memory_space<hbm>> -> memref<1x200x128xf32, #tpu.memory_space<hbm>>
    tpu.wait_dma2 semaphore(%dma_wait3A_150 : memref<!tpu.dma_semaphore, #tpu.memory_space<semaphore_mem>>) src(%arg5 : memref<1x200x128xf32, #tpu.memory_space<vmem>>) dst(%dma_wait3A_153 : memref<1x200x128xf32, #tpu.memory_space<hbm>>)
    %dma_wait3A_154 = arith.constant 0 : i32
    %dma_wait3A_155 = arith.constant 0 : i32
    %dma_wait3A_156 = arith.constant 0 : i32
    %dma_wait3A_157 = tpu.memref_slice %arg3[%mul3A_2, %dma_wait3A_155, %dma_wait3A_156] : memref<16384x200x128xf32, #tpu.memory_space<hbm>> -> memref<1x200x128xf32, #tpu.memory_space<hbm>>
    %dma_wait3A_158 = tpu.memref_slice %arg7[%dma_wait3A_154] : memref<2x!tpu.dma_semaphore, #tpu.memory_space<semaphore_mem>> -> memref<1x!tpu.dma_semaphore, #tpu.memory_space<semaphore_mem>>
    %dma_wait3A_159 = tpu.memref_squeeze %dma_wait3A_158 : memref<1x!tpu.dma_semaphore, #tpu.memory_space<semaphore_mem>> -> memref<!tpu.dma_semaphore, #tpu.memory_space<semaphore_mem>>
    %dma_wait3A_160 = arith.constant 0 : i32
    %dma_wait3A_161 = arith.constant 0 : i32
    %dma_wait3A_162 = tpu.memref_slice %arg3[%mul3A_2, %dma_wait3A_160, %dma_wait3A_161] : memref<16384x200x128xf32, #tpu.memory_space<hbm>> -> memref<1x200x128xf32, #tpu.memory_space<hbm>>
    tpu.wait_dma2 semaphore(%dma_wait3A_159 : memref<!tpu.dma_semaphore, #tpu.memory_space<semaphore_mem>>) src(%arg5 : memref<1x200x128xf32, #tpu.memory_space<vmem>>) dst(%dma_wait3A_162 : memref<1x200x128xf32, #tpu.memory_space<hbm>>)
    %dma_wait3A_163 = arith.constant 1 : i32
    %dma_wait3A_164 = tpu.memref_slice %arg7[%dma_wait3A_163] : memref<2x!tpu.dma_semaphore, #tpu.memory_space<semaphore_mem>> -> memref<1x!tpu.dma_semaphore, #tpu.memory_space<semaphore_mem>>
    %dma_wait3A_165 = tpu.memref_squeeze %dma_wait3A_164 : memref<1x!tpu.dma_semaphore, #tpu.memory_space<semaphore_mem>> -> memref<!tpu.dma_semaphore, #tpu.memory_space<semaphore_mem>>
    %dma_wait3A_166 = arith.constant 0 : i32
    %dma_wait3A_167 = arith.constant 0 : i32
    %dma_wait3A_168 = tpu.memref_slice %arg3[%add3A_4, %dma_wait3A_166, %dma_wait3A_167] : memref<16384x200x128xf32, #tpu.memory_space<hbm>> -> memref<1x200x128xf32, #tpu.memory_space<hbm>>
    tpu.wait_dma2 semaphore(%dma_wait3A_165 : memref<!tpu.dma_semaphore, #tpu.memory_space<semaphore_mem>>) src(%arg6 : memref<1x200x128xf32, #tpu.memory_space<vmem_shared>>) dst(%dma_wait3A_168 : memref<1x200x128xf32, #tpu.memory_space<hbm>>)
    %dma_wait3A_169 = arith.constant 1 : i32
    %dma_wait3A_170 = tpu.memref_slice %arg7[%dma_wait3A_169] : memref<2x!tpu.dma_semaphore, #tpu.memory_space<semaphore_mem>> -> memref<1x!tpu.dma_semaphore, #tpu.memory_space<semaphore_mem>>
    %dma_wait3A_171 = tpu.memref_squeeze %dma_wait3A_170 : memref<1x!tpu.dma_semaphore, #tpu.memory_space<semaphore_mem>> -> memref<!tpu.dma_semaphore, #tpu.memory_space<semaphore_mem>>
    %dma_wait3A_172 = arith.constant 0 : i32
    %dma_wait3A_173 = arith.constant 0 : i32
    %dma_wait3A_174 = tpu.memref_slice %arg3[%add3A_4, %dma_wait3A_172, %dma_wait3A_173] : memref<16384x200x128xf32, #tpu.memory_space<hbm>> -> memref<1x200x128xf32, #tpu.memory_space<hbm>>
    tpu.wait_dma2 semaphore(%dma_wait3A_171 : memref<!tpu.dma_semaphore, #tpu.memory_space<semaphore_mem>>) src(%arg6 : memref<1x200x128xf32, #tpu.memory_space<vmem_shared>>) dst(%dma_wait3A_174 : memref<1x200x128xf32, #tpu.memory_space<hbm>>)
    %dma_wait3A_175 = arith.constant 1 : i32
    %dma_wait3A_176 = tpu.memref_slice %arg7[%dma_wait3A_175] : memref<2x!tpu.dma_semaphore, #tpu.memory_space<semaphore_mem>> -> memref<1x!tpu.dma_semaphore, #tpu.memory_space<semaphore_mem>>
    %dma_wait3A_177 = tpu.memref_squeeze %dma_wait3A_176 : memref<1x!tpu.dma_semaphore, #tpu.memory_space<semaphore_mem>> -> memref<!tpu.dma_semaphore, #tpu.memory_space<semaphore_mem>>
    %dma_wait3A_178 = arith.constant 0 : i32
    %dma_wait3A_179 = arith.constant 0 : i32
    %dma_wait3A_180 = tpu.memref_slice %arg3[%add3A_4, %dma_wait3A_178, %dma_wait3A_179] : memref<16384x200x128xf32, #tpu.memory_space<hbm>> -> memref<1x200x128xf32, #tpu.memory_space<hbm>>
    tpu.wait_dma2 semaphore(%dma_wait3A_177 : memref<!tpu.dma_semaphore, #tpu.memory_space<semaphore_mem>>) src(%arg6 : memref<1x200x128xf32, #tpu.memory_space<vmem_shared>>) dst(%dma_wait3A_180 : memref<1x200x128xf32, #tpu.memory_space<hbm>>)
    return
  }
}

</mosaic_0001>

<sc_bundles>
// kernel: kernel.3.cloned.1.call-start
scs
__scs_entry_jumppad:
0x0: {  	(pc) =	sbr.rel $0x88, $3  }
0x1: {  	(tag) =	ssettag $0x0;
	lr =	simm.s32 $0x1  }
0x2: {  	[smem:$0x3FA0] =	sst lr;
	_ =	strace $0xD0000000  }
0x3: {  	_ = 	snop  }
0x4: {  	_ = 	snop  }
0x5: {  	_ = 	snop  }
0x6: {  	_ = 	snop  }
0x7: {  	_ = 	snop  }
__scs_overlays_trampoline_lowered:
0x8: {  	[smem:$0x3FAF] =	sst s0  }
0x9: {  	[smem:$0x3FB0] =	sst s1  }
0xa: {  	[smem:$0x3FB1] =	sst s2  }
0xb: {  	[smem:$0x3FB2] =	sst s3  }
0xc: {  	[smem:$0x3FB3] =	sst s4  }
0xd: {  	[smem:$0x3FB4] =	sst s5  }
0xe: {  	[smem:$0x3FB5] =	sst s6  }
0xf: {  	[smem:$0x3FB6] =	sst s7  }
0x10: {  	[smem:$0x3FB7] =	sst s8  }
0x11: {  	[smem:$0x3FB8] =	sst s9;
	s0 =	simm.s32 @!p0 $0x0  }
0x12: {  	s1 =	sld [smem:$0x3F9E];
	s0 =	simm.s32 @p0 $0x1  }
0x13: {  	[smem:$0x3FB9] =	sst s0;
	s0 =	simm.s32 @!p1 $0x0  }
0x14: {  	s2 =	sld [smem:$0x3F9D];
	s0 =	simm.s32 @p1 $0x1  }
0x15: {  	[smem:$0x3FBA] =	sst s0;
	s0 =	simm.s32 @!p2 $0x0  }
0x16: {  	s3 =	sld [smem:$0x3FDB];
	s0 =	simm.s32 @p2 $0x1  }
0x17: {  	s4 =	simm.s32 $0x1BF5;
	[smem:$0x3FBC] =	sst s0  }
0x18: {  	s0 =	sld [smem:$0x3F9F];
	_ =	swait.ge [sflag:s4], $0x0  }
0x19: {  	s7 =	sld [smem:$0x3FA0]  }
0x1a: {  	s8 =	sadd.s32 $0xFFFFE003, lr  }
0x1b: {  	s9 =	sadd.s32 $0xFFFFFEF7, lr;
	s5 =	simm.s32 $0xFFFFFFFF;
	p2 =	slt.u32 s8, $0xFFFFF086  }
0x1c: {  	p1 =	slt.u32 s9, $0xF7A;
	s5 =	simm.s32 @!p2 $0x0  }
0x1d: {  	s5 =	simm.s32 @p1 $0x1;
	p0 =	seq.s32 s7, s2  }
0x1e: {  	s7 =	smul.u32 @!p0 $0xF7A, s2;
	p2 =	seq.s32 @!p0 s5, $0x0  }
0x1f: {  	s9 =	smul.u32 $0xF7A, s1;
	s8 =	simm.s32 @!p0 $0x1BF5;
	p2 =	por !p2, p0  }
0x20: {  	[sflag:s8] =	ssyncset.s32 @!p0 $0xFFFFF086;
	s6 =	sadd.s32 @!p0 s3, s7;
	s7 =	simm.s32 @!p0 $0x108  }
0x21: {  	s3 =	sadd.s32 s3, s9;
	s6 =	sadd.s32 @!p0 $0x88, s6;
	s7 =	simm.s32 @p2 $0x1082  }
0x22: {  	[simem:s7], [sflag:s8] =	dma.local @!p0 [hbm:s6], $0xF7A  }
0x23: {  	s9 =	sor.u32 $0xD0000000, s2;
	s6 =	simm.s32 $0x108;
	_ =	swait.ge @!p0 [sflag:s8], $0x0  }
0x24: {  	s3 =	sadd.s32 $0x88, s3;
	s6 =	simm.s32 @!p1 $0x1082;
	[sflag:s4] =	ssyncset.s32 $0xFFFFF086  }
0x25: {  	[simem:s6], [sflag:s4] =	dma.local [hbm:s3], $0xF7A  }
0x26: {  	[smem:$0x3FA0] =	sst s1;
	(tag) =	ssettag s2;
	_ =	strace s9  }
0x27: {  	s1 =	sld [smem:$0x3FB0]  }
0x28: {  	s2 =	sld [smem:$0x3FB1]  }
0x29: {  	s4 =	sld [smem:$0x3FB3]  }
0x2a: {  	p0 =	seq.s32 s5, $0x0;
	s5 =	sld [smem:$0x3FB4]  }
0x2b: {  	s6 =	sld [smem:$0x3FB5]  }
0x2c: {  	s7 =	sld [smem:$0x3FB6]  }
0x2d: {  	s3 =	simm.s32 $0x108;
	s8 =	sld [smem:$0x3FB7]  }
0x2e: {  	s3 =	simm.s32 @!p0 $0x1082;
	s9 =	sld [smem:$0x3FB8]  }
0x2f: {  	lr =	sadd.s32 s0, s3;
	s0 =	sld [smem:$0x3FAF]  }
0x30: {  	s3 =	sld [smem:$0x3FB2]  }
0x31: {  	[smem:$0x3FBB] =	sst s10  }
0x32: {  	s10 =	sld [smem:$0x3FB9];
	_ =	sdelay $0x3  }
0x33: {  	p0 =	seq.s32 s10, $0x1;
	s10 =	sld [smem:$0x3FBB];
	_ =	sdelay $0x3  }
0x34: {  	[smem:$0x3FBB] =	sst s10  }
0x35: {  	s10 =	sld [smem:$0x3FBA];
	_ =	sdelay $0x3  }
0x36: {  	p1 =	seq.s32 s10, $0x1;
	s10 =	sld [smem:$0x3FBB];
	_ =	sdelay $0x3  }
0x37: {  	[smem:$0x3FBB] =	sst s10  }
0x38: {  	s10 =	sld [smem:$0x3FBC]  }
0x39: {  	_ = 	snop;
	(pc) =	sbr.ind lr, $3  }
0x3a: {  	_ = 	snop  }
0x3b: {  	_ = 	snop  }
0x3c: {  	p2 =	seq.s32 s10, $0x1;
	s10 =	sld [smem:$0x3FBB]  }
0x3d: {  	_ =	shalt  }
0x3e: {  	_ =	shalt  }
0x3f: {  	_ =	shalt  }
0x40: {  	_ =	shalt  }
0x41: {  	_ =	shalt  }
0x42: {  	_ =	shalt  }
0x43: {  	_ =	shalt  }
0x44: {  	_ =	shalt  }
0x45: {  	_ =	shalt  }
0x46: {  	_ =	shalt  }
0x47: {  	_ =	shalt  }
0x48: {  	_ =	shalt  }
0x49: {  	_ =	shalt  }
0x4a: {  	_ =	shalt  }
0x4b: {  	_ =	shalt  }
0x4c: {  	_ =	shalt  }
0x4d: {  	_ =	shalt  }
0x4e: {  	_ =	shalt  }
0x4f: {  	_ =	shalt  }
0x50: {  	_ =	shalt  }
0x51: {  	_ =	shalt  }
0x52: {  	_ =	shalt  }
0x53: {  	_ =	shalt  }
0x54: {  	_ =	shalt  }
0x55: {  	_ =	shalt  }
0x56: {  	_ =	shalt  }
0x57: {  	_ =	shalt  }
0x58: {  	_ =	shalt  }
0x59: {  	_ =	shalt  }
0x5a: {  	_ =	shalt  }
0x5b: {  	_ =	shalt  }
0x5c: {  	_ =	shalt  }
0x5d: {  	_ =	shalt  }
0x5e: {  	_ =	shalt  }
0x5f: {  	_ =	shalt  }
0x60: {  	_ =	shalt  }
0x61: {  	_ =	shalt  }
0x62: {  	_ =	shalt  }
0x63: {  	_ =	shalt  }
0x64: {  	_ =	shalt  }
0x65: {  	_ =	shalt  }
0x66: {  	_ =	shalt  }
0x67: {  	_ =	shalt  }
0x68: {  	_ =	shalt  }
0x69: {  	_ =	shalt  }
0x6a: {  	_ =	shalt  }
0x6b: {  	_ =	shalt  }
0x6c: {  	_ =	shalt  }
0x6d: {  	_ =	shalt  }
0x6e: {  	_ =	shalt  }
0x6f: {  	_ =	shalt  }
0x70: {  	_ =	shalt  }
0x71: {  	_ =	shalt  }
0x72: {  	_ =	shalt  }
0x73: {  	_ =	shalt  }
0x74: {  	_ =	shalt  }
0x75: {  	_ =	shalt  }
0x76: {  	_ =	shalt  }
0x77: {  	_ =	shalt  }
0x78: {  	_ =	shalt  }
0x79: {  	_ =	shalt  }
0x7a: {  	_ =	shalt  }
0x7b: {  	_ =	shalt  }
0x7c: {  	_ =	shalt  }
0x7d: {  	_ =	shalt  }
0x7e: {  	_ =	shalt  }
0x7f: {  	_ =	shalt  }
0x80: {  	_ =	shalt  }
0x81: {  	_ =	shalt  }
0x82: {  	_ =	shalt  }
0x83: {  	_ =	shalt  }
0x84: {  	_ =	shalt  }
0x85: {  	_ =	shalt  }
0x86: {  	_ =	shalt  }
0x87: {  	_ =	shalt  }
.Lfunc_end0:
.L_simem_size_0:
called_computation_lowered:
.L_overlay_start_0:
0x88: {  	s2 =	sld [smem:$0x3FD9]  }
0x89: {  	s3 =	sld [smem:$0x3FFE];
	_ =	sdelay $0x1  }
0x8a: {  	s1 =	srdreg.scid  }
0x8b: {  	s0 =	sand.u32 $0x1, s1  }
0x8c: {  	s18 =	sshll.u32 s0, $0xA;
	s2 =	sadd.s32 s3, s2  }
0x8d: {  	s2 =	sadd.s32 s2, s18  }
0x8e: {  	[smem:$0x3FC7] =	sst s2  }
0x8f: {  	_ = 	snop  }
0x90: {  	s2 =	sld [smem:$0x3FC9]  }
0x91: {  	s19 =	sld [smem:$0x3FD0];
	(tm) =	ssettm $0x1  }
0x92: {  	s4 =	sld [smem:$0x3FFB];
	_ =	sdelay $0x3  }
0x93: {  	_ =	strace s4  }
0x94: {  	s4 =	sld [smem:$0x3FFC];
	_ =	sdelay $0x3  }
0x95: {  	_ =	strace s4  }
0x96: {  	s4 =	sld [smem:$0x3FFD];
	_ =	sdelay $0x3  }
0x97: {  	_ =	strace s4  }
0x98: {  	_ =	strace $0x8FFFFFFF  }
0x99: {  	s20 =	sld [smem:$0x3FDB];
	_ =	sdelay $0x1  }
0x9a: {  	s5 =	simm.s32 $_scs_section_size  }
0x9b: {  	s6 =	simm.s32 $_size__tile_overlayer_lowered;
	s7 =	simm.s32 $_tile_overlayer_lowered  }
0x9c: {  	s23 =	simm.s32 $0x1BFF;
	s22 =	sshll.u32 s7, $0x1;
	s4 =	sadd.s32 s5, s20  }
0x9d: {  	s8 =	simm.s32 $0x0;
	s21 =	sshll.u32 s6, $0x1;
	s6 =	sadd.s32 s22, s4  }
0x9e: {  	[timem:s8], [sflag:s23] =	dma.local [hbm:s6], s21  }
0x9f: {  	_ =	swait.ge [sflag:s23], s21  }
0xa0: {  	s5 =	ssub.s32 $0x0, s21;
	[sflag:s23] =	ssyncset.done $0x0  }
0xa1: {  	[sflag:s23] =	ssyncadd.s32 s5;
	_ =	sdelay $0x1  }
0xa2: {  	s24 =	simm.s32 $0x1B8B  }
0xa3: {  	_ =	swait.ge [sflag:s24], $0x1  }
0xa4: {  	[sflag:s24] =	ssyncset.done $0x0  }
0xa5: {  	s25 =	simm.s32 $0x1B8E;
	[sflag:s24] =	ssyncadd.s32 $0xFFFFFFFF  }
0xa6: {  	s26 =	simm.s32 $execute0_lowered;
	[smem:$0x3FD2] =	sst s25  }
0xa7: {  	s5 =	sshll.u32 s26, $0x1;
	_ =	strace $0x80000046;
	[dreg:$0x1] =	wrdreg $0xFFFFFFFF  }
0xa8: {  	s28 =	simm.s32 $_size_execute0_lowered;
	s4 =	sadd.s32 s4, s5;
	[dreg:$0x0] =	wrdreg $0x0  }
0xa9: {  	s5 =	sshll.u32 s28, $0x1;
	[dreg:$0x2] =	wrdreg s4  }
0xaa: {  	[dreg:$0x3] =	wrdreg s5  }
0xab: {  	[dreg:$0x4] =	wrdreg $0xC0  }
0xac: {  	_ =	task [dreg:s8], $0x5FFFF  }
0xad: {  	[dreg:$0x1] =	wrdreg $0xFFFFFFFF  }
0xae: {  	[dreg:$0x0] =	wrdreg $0x60  }
0xaf: {  	[dreg:$0x2] =	wrdreg s2  }
0xb0: {  	[dreg:$0x3] =	wrdreg s19  }
0xb1: {  	[dreg:$0x4] =	wrdreg $0x64800  }
0xb2: {  	[dreg:$0x5] =	wrdreg $0x9  }
0xb3: {  	_ =	task.clear_ibuf [dreg:s8], $0x6FFFF;
	_ =	strace $0x90000046  }
0xb4: {  	s29 =	simm.s32 $0x9;
	_ =	strace $0x80000048  }
0xb5: {  	_ =	swait.ge [sflag:s29], $0x1  }
0xb6: {  	[sflag:s29] =	ssyncadd.s32 $0xFFFFFFFF  }
0xb7: {  	_ =	strace $0x90000048  }
0xb8: {  	_ =	sfence  }
0xb9: {  	s30 =	sld [smem:$0x0];
	_ =	sdelay $0x2  }
0xba: {  	s31 =	sshll.u32 s1, $0xD;
	s1 =	sshrl.u32 s1, $0x2  }
0xbb: {  	s3 =	sand.u32 $0x4000, s31;
	s1 =	sadd.s32 s1, s30  }
0xbc: {  	s0 =	sor.u32 s3, s0;
	s1 =	sshll.u32 s1, $0x11  }
0xbd: {  	s0 =	sor.u32 s1, s0  }
0xbe: {  	s0 =	sadd.s32 $0x8F2B, s0  }
0xbf: {  	[sflag:s0] =	ssyncadd.remote.s32 $0x1  }
0xc0: {  	_ =	sfence.sel $0xFFFF  }
0xc1: {  	[dreg:$0x0] =	wrdreg $0xFFFFFFFF;
	(pc) =	sbr.abs _section_cstart, $3  }
0xc2: {  	[dreg:$0x1] =	wrdreg $0xFFFFFFFF  }
0xc3: {  	_ =	task.clear_ibuf [dreg:s8], $0x2FFFF;
	_ =	strace $0x9FFFFFFF  }
0xc4: {  	(tm) =	ssettm $0x7FFFFFFF  }
0xc5: {  	_ =	shalt  }
tec
execute0_lowered:
.L_overlay_start_1:
0x0: {  	(tag) =	ssettag $0x1  }
0x1: {  	s0 =	rddreg [dreg:$0x0];
	s1 =	srdreg.scid  }
0x2: {  	s14 =	rddreg [dreg:$0x1];
	s16 =	stileid.u32  }
0x3: {  	s2 =	rddreg [dreg:$0x2];
	s3 =	simm.s32 $0x0;
	s19 =	simm.s32 $0x1  }
0x4: {  	s20 =	simm.s32 $0x2;
	s13 =	sand.u32 $0x1, s1;
	s1 =	rddreg [dreg:$0x3]  }
0x5: {  	s21 =	simm.s32 $0x0;
	s4 =	sshll.u32 s16, $0xA;
	[smem:$0x7FF] =	sst s3  }
0x6: {  	s15 =	smul.u32 $0x320000, s16;
	p0 =	sne.s32 s16, $0x0;
	s17 =	sshll.u32 s16, $0x6  }
0x7: {  	s16 =	simm.s32 $0x80;
	s18 =	sshrl.u32 s2, $0x3;
	s5 =	sshll.u32 s13, $0x9  }
0x8: {  	s31 =	ssub.s32 $0x2, s13;
	s13 =	smul.u32 $0x190000, s13;
	s5 =	sor.u32 s5, s4  }
0x9: {  	_ =	strace $0x80000047;
	s17 =	sor.u32 $0x1C02, s17;
	s6 =	smul.u32 $0xC80, s5  }
0xa: {  	s7 =	sshrl.u32 s31, $0x1;
	s8 =	smul.u32 $0x6400, s5;
	s9 =	sor.u32 $0x140, s5  }
0xb: {  	s12 =	ssub.s32 s31, s7;
	s9 =	smul.u32 $0xC80, s9;
	s4 =	sadd.s32 s14, s6  }
0xc: {  	s12 =	smax.u32 s12, $0x1;
	s10 =	sshrl.u32 s8, $0x3;
	s5 =	sadd.s32 $0xC80, s4  }
0xd: {  	s6 =	sadd.s32 $0x1900, s4;
	s7 =	sadd.s32 $0x2580, s4;
	s8 =	sadd.s32 $0x3200, s4  }
0xe: {  	s11 =	sadd.s32 s14, s10;
	s9 =	sadd.s32 s14, s9;
	s14 =	sadd.s32 s15, s14  }
0xf: {  	s15 =	simm.s32 $0x3;
	s10 =	sadd.s32 $0xFAC80, s11;
	s11 =	sadd.s32 $0xFB900, s11  }
.LBB2_1:
0x10: {  	[tilespmem:s3], [sflag:$0x3] =	stream.linear.gather [hbm4b:s0+s3], $0x80, $0x38;
	[tilespmem:$0x6AC0] =	vst v63  }
0x11: {  	_ =	swait.ge [sflag:s15], $0x80  }
0x12: {  	[sflag:s15] =	ssyncset.done $0x0  }
0x13: {  	[sflag:s15] =	ssyncadd.s32 $0xFFFFFF80  }
0x14: {  	v0 =	vld [tilespmem:$0x0]  }
0x15: {  	v1 =	vld [tilespmem:$0x10]  }
0x16: {  	v2 =	vld [tilespmem:$0x20]  }
0x17: {  	v7 =	vld [tilespmem:$0x70]  }
0x18: {  	v3 =	vld [tilespmem:$0x30]  }
0x19: {  	v4 =	vld [tilespmem:$0x40]  }
0x1a: {  	v5 =	vld [tilespmem:$0x50]  }
0x1b: {  	s22 =	simm.s32 $0x0;
	s23 =	simm.s32 $0x200;
	v6 =	vld [tilespmem:$0x60]  }
.LBB2_2:
0x1c: {  	p1 =	sne.s32 s23, $0x18E00;
	[tilespmem:s22+$0xF0] =	vst v7  }
0x1d: {  	[tilespmem:s22+$0x80] =	vst v0  }
0x1e: {  	[tilespmem:s22+$0x90] =	vst v1  }
.Ltmp0:
0x1f: {  	[tilespmem:s22+$0xA0] =	vst v2;
	(pc) =	sbr.rel @p1 .LBB2_2-.Ltmp0, $4  }
0x20: {  	[tilespmem:s22+$0xB0] =	vst v3  }
0x21: {  	[tilespmem:s22+$0xC0] =	vst v4  }
0x22: {  	[tilespmem:s22+$0xD0] =	vst v5  }
0x23: {  	[tilespmem:s22+$0xE0] =	vst v6;
	s22 =	sshra.s32 s23, $0x2;
	s23 =	sadd.s32 $0x200, s23  }
0x24: {  	[tilespmem:s22+$0xF0] =	vst v7  }
0x25: {  	[tilespmem:s22+$0x80] =	vst v0  }
0x26: {  	[tilespmem:s22+$0x90] =	vst v1  }
0x27: {  	[tilespmem:s22+$0xA0] =	vst v2  }
0x28: {  	[tilespmem:s22+$0xB0] =	vst v3  }
0x29: {  	[tilespmem:s22+$0xC0] =	vst v4  }
0x2a: {  	[tilespmem:s22+$0xD0] =	vst v5  }
0x2b: {  	[tilespmem:s22+$0xE0] =	vst v6;
	s22 =	simm.s32 @!p0 $0x80  }
0x2c: {  	[spmem:s2] =	stream.linear.scatter @!p0 [tilespmem:s22], [sflag:$0x3], $0x6400, $0x38;
	[tilespmem:$0x6AC0] =	vst v63  }
0x2d: {  	s22 =	simm.s32 @!p0 $0x3  }
0x2e: {  	_ =	swait.ge @!p0 [sflag:s22], $0x6400  }
0x2f: {  	[sflag:s22] =	ssyncset.done @!p0 $0x0  }
0x30: {  	[sflag:s22] =	ssyncadd.s32 @!p0 $0xFFFF9C00  }
0x31: {  	[bflag:$0x0] =	sbarrier.arrive $0xFFFF  }
0x32: {  	[hbm4b:s4+s3] =	stream.linear.scatter [tilespmem:s16], [sflag:$0x1], $0x6400, $0x38;
	[tilespmem:$0x6AC0] =	vst v63  }
0x33: {  	_ = 	snop  }
0x34: {  	[hbm4b:s5+s3] =	stream.linear.scatter [tilespmem:s16], [sflag:$0x1], $0x6400, $0x38;
	[tilespmem:$0x6AC0] =	vst v63  }
0x35: {  	_ = 	snop  }
0x36: {  	[hbm4b:s6+s3] =	stream.linear.scatter [tilespmem:s16], [sflag:$0x1], $0x6400, $0x38;
	[tilespmem:$0x6AC0] =	vst v63  }
0x37: {  	_ = 	snop  }
0x38: {  	[hbm4b:s7+s3] =	stream.linear.scatter [tilespmem:s16], [sflag:$0x1], $0x6400, $0x38;
	[tilespmem:$0x6AC0] =	vst v63  }
0x39: {  	_ = 	snop  }
0x3a: {  	[hbm4b:s8+s3] =	stream.linear.scatter [tilespmem:s16], [sflag:$0x1], $0x6400, $0x38;
	[tilespmem:$0x6AC0] =	vst v63  }
0x3b: {  	[hbm:s9], [sflag:s17] =	dma.local [spmem:s18], $0xC80  }
0x3c: {  	[hbm:s10], [sflag:s17] =	dma.local [spmem:s18], $0xC80  }
0x3d: {  	[hbm:s11], [sflag:s17] =	dma.local [spmem:s18], $0xC80  }
0x3e: {  	_ =	swait.ge [sflag:s19], $0x6400  }
0x3f: {  	s24 =	sadd.s32 s14, s13;
	[sflag:s19] =	ssyncset.done $0x0  }
0x40: {  	s23 =	sadd.s32 $0x3E80, s24;
	[sflag:s19] =	ssyncadd.s32 $0xFFFF9C00  }
0x41: {  	[hbm4b:s23+s3] =	stream.linear.scatter [tilespmem:s16], [sflag:$0x1], $0x6400, $0x38;
	[tilespmem:$0x6AC0] =	vst v63  }
0x42: {  	_ =	swait.ge [sflag:s19], $0x6400  }
0x43: {  	[sflag:s19] =	ssyncset.done $0x0  }
0x44: {  	s25 =	sadd.s32 $0x4B00, s24;
	[sflag:s19] =	ssyncadd.s32 $0xFFFF9C00  }
0x45: {  	[hbm4b:s25+s3] =	stream.linear.scatter [tilespmem:s16], [sflag:$0x1], $0x6400, $0x38;
	[tilespmem:$0x6AC0] =	vst v63  }
0x46: {  	_ =	swait.ge [sflag:s19], $0x6400  }
0x47: {  	[sflag:s19] =	ssyncset.done $0x0  }
0x48: {  	s26 =	sadd.s32 $0x5780, s24;
	[sflag:s19] =	ssyncadd.s32 $0xFFFF9C00  }
0x49: {  	[hbm4b:s26+s3] =	stream.linear.scatter [tilespmem:s16], [sflag:$0x1], $0x6400, $0x38;
	[tilespmem:$0x6AC0] =	vst v63  }
0x4a: {  	_ =	swait.ge [sflag:s19], $0x6400  }
0x4b: {  	[sflag:s19] =	ssyncset.done $0x0  }
0x4c: {  	s28 =	sadd.s32 $0x6400, s24;
	[sflag:s19] =	ssyncadd.s32 $0xFFFF9C00  }
0x4d: {  	[hbm4b:s28+s3] =	stream.linear.scatter [tilespmem:s16], [sflag:$0x1], $0x6400, $0x38;
	[tilespmem:$0x6AC0] =	vst v63  }
0x4e: {  	_ =	swait.ge [sflag:s19], $0x6400  }
0x4f: {  	[sflag:s19] =	ssyncset.done $0x0  }
0x50: {  	s29 =	sadd.s32 $0x7080, s24;
	[sflag:s19] =	ssyncadd.s32 $0xFFFF9C00  }
0x51: {  	[hbm4b:s29+s3] =	stream.linear.scatter [tilespmem:s16], [sflag:$0x1], $0x6400, $0x38;
	[tilespmem:$0x6AC0] =	vst v63  }
0x52: {  	_ =	swait.ge [sflag:s20], $0xC80  }
0x53: {  	[sflag:s20] =	ssyncset.done $0x0  }
0x54: {  	s30 =	sadd.s32 $0xFC580, s24;
	[sflag:s20] =	ssyncadd.s32 $0xFFFFF380  }
0x55: {  	[hbm:s30], [sflag:s17] =	dma.local [spmem:s18], $0xC80  }
0x56: {  	_ =	swait.ge [sflag:s20], $0xC80  }
0x57: {  	[sflag:s20] =	ssyncset.done $0x0  }
0x58: {  	s31 =	sadd.s32 $0xFD200, s24;
	[sflag:s20] =	ssyncadd.s32 $0xFFFFF380  }
0x59: {  	[hbm:s31], [sflag:s17] =	dma.local [spmem:s18], $0xC80  }
0x5a: {  	_ =	swait.ge [sflag:s20], $0xC80  }
0x5b: {  	s22 =	simm.s32 $0x3E;
	s23 =	sadd.s32 $0x3E80, s14;
	[sflag:s20] =	ssyncset.done $0x0  }
0x5c: {  	s25 =	sadd.s32 $0xFDE80, s24;
	s24 =	sadd.s32 $0x2580, s14;
	[sflag:s20] =	ssyncadd.s32 $0xFFFFF380  }
.LBB2_4:
0x5d: {  	[hbm:s25], [sflag:s17] =	dma.local [spmem:s18], $0xC80  }
0x5e: {  	p1 =	sne.s32 s22, $0x1;
	s22 =	sadd.s32 $0xFFFFFFFF, s22;
	_ =	swait.ge [sflag:s19], $0x6400  }
0x5f: {  	s25 =	sadd.s32 s23, s13;
	[sflag:s19] =	ssyncset.done $0x0  }
0x60: {  	s26 =	sadd.s32 $0x3E80, s25;
	[sflag:s19] =	ssyncadd.s32 $0xFFFF9C00  }
0x61: {  	[hbm4b:s26+s3] =	stream.linear.scatter [tilespmem:s16], [sflag:$0x1], $0x6400, $0x38;
	[tilespmem:$0x6AC0] =	vst v63  }
0x62: {  	_ =	swait.ge [sflag:s19], $0x6400  }
0x63: {  	[sflag:s19] =	ssyncset.done $0x0  }
0x64: {  	s26 =	sadd.s32 $0x4B00, s25;
	[sflag:s19] =	ssyncadd.s32 $0xFFFF9C00  }
0x65: {  	[hbm4b:s26+s3] =	stream.linear.scatter [tilespmem:s16], [sflag:$0x1], $0x6400, $0x38;
	[tilespmem:$0x6AC0] =	vst v63  }
0x66: {  	_ =	swait.ge [sflag:s19], $0x6400  }
0x67: {  	[sflag:s19] =	ssyncset.done $0x0  }
0x68: {  	s26 =	sadd.s32 $0x5780, s25;
	[sflag:s19] =	ssyncadd.s32 $0xFFFF9C00  }
0x69: {  	[hbm4b:s26+s3] =	stream.linear.scatter [tilespmem:s16], [sflag:$0x1], $0x6400, $0x38;
	[tilespmem:$0x6AC0] =	vst v63  }
0x6a: {  	_ =	swait.ge [sflag:s19], $0x6400  }
0x6b: {  	[sflag:s19] =	ssyncset.done $0x0  }
0x6c: {  	s26 =	sadd.s32 $0x6400, s25;
	[sflag:s19] =	ssyncadd.s32 $0xFFFF9C00  }
0x6d: {  	[hbm4b:s26+s3] =	stream.linear.scatter [tilespmem:s16], [sflag:$0x1], $0x6400, $0x38;
	[tilespmem:$0x6AC0] =	vst v63  }
0x6e: {  	_ =	swait.ge [sflag:s19], $0x6400  }
0x6f: {  	[sflag:s19] =	ssyncset.done $0x0  }
0x70: {  	s25 =	sadd.s32 $0x7080, s25;
	[sflag:s19] =	ssyncadd.s32 $0xFFFF9C00  }
0x71: {  	[hbm4b:s25+s3] =	stream.linear.scatter [tilespmem:s16], [sflag:$0x1], $0x6400, $0x38;
	[tilespmem:$0x6AC0] =	vst v63  }
0x72: {  	_ =	swait.ge [sflag:s20], $0xC80  }
0x73: {  	s25 =	sadd.s32 s24, s13;
	[sflag:s20] =	ssyncset.done $0x0  }
0x74: {  	s26 =	sadd.s32 $0xFC580, s25;
	[sflag:s20] =	ssyncadd.s32 $0xFFFFF380  }
0x75: {  	[hbm:s26], [sflag:s17] =	dma.local [spmem:s18], $0xC80  }
0x76: {  	_ =	swait.ge [sflag:s20], $0xC80  }
0x77: {  	[sflag:s20] =	ssyncset.done $0x0  }
.Ltmp1:
0x78: {  	s26 =	sadd.s32 $0xFD200, s25;
	[sflag:s20] =	ssyncadd.s32 $0xFFFFF380;
	(pc) =	sbr.rel @p1 .LBB2_4-.Ltmp1, $4  }
0x79: {  	[hbm:s26], [sflag:s17] =	dma.local [spmem:s18], $0xC80  }
0x7a: {  	_ =	swait.ge [sflag:s20], $0xC80  }
0x7b: {  	s23 =	sadd.s32 $0x3E80, s23;
	[sflag:s20] =	ssyncset.done $0x0  }
0x7c: {  	s24 =	sadd.s32 $0x2580, s24;
	s25 =	sadd.s32 $0xFDE80, s25;
	[sflag:s20] =	ssyncadd.s32 $0xFFFFF380  }
0x7d: {  	[hbm:s25], [sflag:s17] =	dma.local [spmem:s18], $0xC80  }
0x7e: {  	_ =	swait.ge [sflag:s19], $0x6400  }
0x7f: {  	[sflag:s19] =	ssyncset.done $0x0  }
0x80: {  	[sflag:s19] =	ssyncadd.s32 $0xFFFF9C00  }
0x81: {  	_ =	swait.ge [sflag:s19], $0x6400  }
0x82: {  	[sflag:s19] =	ssyncset.done $0x0  }
0x83: {  	[sflag:s19] =	ssyncadd.s32 $0xFFFF9C00  }
0x84: {  	_ =	swait.ge [sflag:s19], $0x6400  }
0x85: {  	[sflag:s19] =	ssyncset.done $0x0  }
0x86: {  	[sflag:s19] =	ssyncadd.s32 $0xFFFF9C00  }
0x87: {  	_ =	swait.ge [sflag:s19], $0x6400  }
0x88: {  	[sflag:s19] =	ssyncset.done $0x0  }
0x89: {  	[sflag:s19] =	ssyncadd.s32 $0xFFFF9C00  }
0x8a: {  	_ =	swait.ge [sflag:s19], $0x6400  }
0x8b: {  	[sflag:s19] =	ssyncset.done $0x0  }
0x8c: {  	[sflag:s19] =	ssyncadd.s32 $0xFFFF9C00  }
0x8d: {  	_ =	swait.ge [sflag:s20], $0xC80  }
0x8e: {  	[sflag:s20] =	ssyncset.done $0x0  }
0x8f: {  	s21 =	sadd.s32 $0x1, s21;
	[sflag:s20] =	ssyncadd.s32 $0xFFFFF380  }
0x90: {  	p1 =	sne.s32 s21, s12;
	_ =	swait.ge [sflag:s20], $0xC80  }
.Ltmp2:
0x91: {  	[sflag:s20] =	ssyncset.done $0x0;
	(pc) =	sbr.rel @p1 .LBB2_1-.Ltmp2, $4  }
0x92: {  	[sflag:s20] =	ssyncadd.s32 $0xFFFFF380  }
0x93: {  	_ =	swait.ge [sflag:s20], $0xC80  }
0x94: {  	[sflag:s20] =	ssyncset.done $0x0  }
0x95: {  	[sflag:s20] =	ssyncadd.s32 $0xFFFFF380  }
0x96: {  	_ =	sfence.sel $0x180000  }
0x97: {  	[bflag:$0x0] =	sbarrier.arrive $0xFFFF  }
0x98: {  	_ =	strace $0x90000047  }
0x99: {  	s0 =	sadd.s32 @!p0 $0x100000, s1;
	[bflag:$0x2] =	sbarrier.arrive $0xFFFF  }
0x9a: {  	[sflag:s0] =	ssyncadd.tile.s32 @!p0 $0x1;
	_ =	shalt  }
.Lfunc_end2:
_tile_overlayer_lowered:
.L_overlay_start_2:
0x9b: {  	(tag) =	ssettag $0x2  }
0x9c: {  	s0 =	rddreg [dreg:$0x0];
	s2 =	stileid.u32  }
0x9d: {  	s1 =	rddreg [dreg:$0x1];
	p0 =	sne.s32 s2, $0x0  }
0x9e: {  	s3 =	rddreg [dreg:$0x2];
	[bflag:$0x3] =	sbarrier.arrive $0xFFFF;
	s2 =	simm.s32 @!p0 $0x1C03  }
0x9f: {  	[timem:s3], [sflag:s2] =	dma.local @!p0 [hbm:s0], s1  }
0xa0: {  	s0 =	simm.s32 @!p0 $0x3  }
0xa1: {  	_ =	swait.ge @!p0 [sflag:s0], s1  }
0xa2: {  	s1 =	ssub.s32 @!p0 $0x0, s1;
	[sflag:s0] =	ssyncset.done @!p0 $0x0  }
0xa3: {  	[sflag:s0] =	ssyncadd.s32 @!p0 s1  }
0xa4: {  	[bflag:$0x3] =	sbarrier.arrive $0xFFFF  }
0xa5: {  	_ =	shalt  }

</sc_bundles>
